<compile_context>
chip_gen: v7x
topology: tpu7x:2x2x1
jax: 0.10.2.dev20260603
libtpu: 0.0.44.dev20260713+nightly
codegen_flags: <defaults>
</compile_context>

<pallas_src>
import functools

import jax
import jax.numpy as jnp
from jax import lax
from jax.experimental import pallas as pl
from jax.experimental.pallas import tpu as pltpu
from jax.experimental.pallas import tpu_sc as plsc

NN = 10000
EE = 320000
NPAD = 10240
ND8 = NPAD // 8
NS = 16
NW = NS
NHALF = NPAD // 2
ACCR = NHALF + 8
DENH = ND8 // 2
DENR = DENH + 8
CHK = 128
KCH = 162
EW = KCH * CHK
EPAD = NW * EW
NEG = 0.2
RPT = NHALF // NS
RPTD = DENH // NS
D = 128


def _matmul2_tc(x, Wl, Wr):
    n, d_in = x.shape
    d_out = Wl.shape[1]
    blk = 1024

    def body(x_ref, wl_ref, wr_ref, xl_ref, xr_ref):
        xb = x_ref[...]
        xl_ref[...] = jnp.dot(xb, wl_ref[...], preferred_element_type=jnp.float32)
        xr_ref[...] = jnp.dot(xb, wr_ref[...], preferred_element_type=jnp.float32)

    return pl.pallas_call(
        body,
        grid=(n // blk,),
        in_specs=[
            pl.BlockSpec((blk, d_in), lambda i: (i, 0)),
            pl.BlockSpec((d_in, d_out), lambda i: (0, 0)),
            pl.BlockSpec((d_in, d_out), lambda i: (0, 0)),
        ],
        out_specs=[
            pl.BlockSpec((blk, d_out), lambda i: (i, 0)),
            pl.BlockSpec((blk, d_out), lambda i: (i, 0)),
        ],
        out_shape=[jax.ShapeDtypeStruct((n, d_out), jnp.float32)] * 2,
    )(x, Wl, Wr)


@functools.partial(
    pl.kernel,
    out_type=[
        pltpu.HBM((NPAD, D), jnp.float32),
        pltpu.HBM((ND8, D), jnp.float32),
    ],
    mesh=plsc.VectorSubcoreMesh(core_axis_name="c", subcore_axis_name="s"),
    compiler_params=pltpu.CompilerParams(needs_layout_passes=False),
    scratch_types=[
        pltpu.VMEM((CHK,), jnp.int32),
        pltpu.VMEM((CHK,), jnp.int32),
        pltpu.VMEM((CHK + 16,), jnp.int32),
        pltpu.VMEM((CHK,), jnp.int32),
        pltpu.VMEM((CHK,), jnp.int32),
        pltpu.VMEM((CHK, D), jnp.float32),
        pltpu.VMEM((CHK, D), jnp.float32),
        pltpu.VMEM((CHK, D), jnp.float32),
        pltpu.VMEM((CHK, D), jnp.float32),
        pltpu.VMEM((CHK, D), jnp.float32),
        pltpu.VMEM((D,), jnp.float32),
        pltpu.VMEM_SHARED((ACCR, D), jnp.float32),
        pltpu.VMEM_SHARED((DENR, D), jnp.float32),
        pltpu.SemaphoreType.DMA,
        pltpu.SemaphoreType.DMA,
        pltpu.SemaphoreType.DMA,
        pltpu.SemaphoreType.DMA,
    ],
)
def _edge_kernel(xl_hbm, xr_hbm, src_hbm, dst_hbm, dstp_hbm, att_hbm,
                 out_hbm, den_hbm,
                 src_v, dst_v, dst_s, dstl_v, dst8_v, u_v, v_v, wu_v, wd_v,
                 z_v, att_v, acc_sh, den_sh, sem1, sem2, sem3, sem4):
    cid = lax.axis_index("c")
    sid = lax.axis_index("s")
    wid = sid
    pltpu.sync_copy(att_hbm, att_v)

    zeros16 = jnp.zeros((16,), jnp.float32)

    def zrow(r, carry):
        for j in range(D // 16):
            z_v[r, pl.ds(j * 16, 16)] = zeros16
            wd_v[r, pl.ds(j * 16, 16)] = zeros16
        return carry

    lax.fori_loop(0, CHK, zrow, 0)
    for t in range(RPT // CHK):
        pltpu.sync_copy(z_v, acc_sh.at[pl.ds(sid * RPT + t * CHK, CHK), :])
    pltpu.sync_copy(z_v.at[pl.ds(0, RPT % CHK), :],
                    acc_sh.at[pl.ds(sid * RPT + (RPT // CHK) * CHK,
                                    RPT % CHK), :])
    pltpu.sync_copy(z_v.at[pl.ds(0, RPTD), :],
                    den_sh.at[pl.ds(sid * RPTD, RPTD), :])

    @pl.when(sid == 0)
    def _zero_trash():
        pltpu.sync_copy(z_v.at[pl.ds(0, 8), :],
                        acc_sh.at[pl.ds(NHALF, 8), :])
        pltpu.sync_copy(z_v.at[pl.ds(0, 8), :],
                        den_sh.at[pl.ds(DENH, 8), :])

    plsc.subcore_barrier()

    lane = lax.broadcasted_iota(jnp.int32, (16,), 0)
    att16 = [att_v[pl.ds(j * 16, 16)] for j in range(D // 16)]

    def chunk(g, carry):
        base = wid * EW + g * CHK
        pltpu.sync_copy(src_hbm.at[pl.ds(base, CHK)], src_v)
        pltpu.sync_copy(dst_hbm.at[pl.ds(base, CHK)], dst_v)
        pltpu.sync_copy(dstp_hbm.at[pl.ds(base, CHK + 16)], dst_s)
        cp1 = pltpu.async_copy(xl_hbm.at[src_v], u_v, sem1)
        cp2 = pltpu.async_copy(xr_hbm.at[dst_v], v_v, sem2)
        lo = cid * NHALF
        lo8 = cid * DENH
        for eb in range(CHK // 16):
            d16 = dst_v[pl.ds(eb * 16, 16)]
            l16 = d16 - lo
            ok = jnp.logical_and(l16 >= 0, l16 < NHALF)
            dstl_v[pl.ds(eb * 16, 16)] = jnp.where(ok, l16, NHALF)
            l8 = lax.shift_right_logical(d16, 3) - lo8
            ok8 = jnp.logical_and(l8 >= 0, l8 < DENH)
            dst8_v[pl.ds(eb * 16, 16)] = jnp.where(ok8, l8, DENH)
        cp1.wait()
        cp2.wait()

        def edge(e, carry2):
            us = []
            acc = jnp.zeros((16,), jnp.float32)
            for j in range(D // 16):
                lu = u_v[e, pl.ds(j * 16, 16)]
                lv = v_v[e, pl.ds(j * 16, 16)]
                us.append(lu)
                zz = lu + lv
                zz = jnp.maximum(zz, NEG * zz)
                acc = acc + att16[j] * zz
            logit = jnp.sum(acc, axis=0)
            wvec = jnp.exp(jnp.full((16,), 1.0, jnp.float32) * logit)
            for j in range(D // 16):
                wu_v[e, pl.ds(j * 16, 16)] = us[j] * wvec
            d16 = dst_s[pl.ds(e, 16)]
            dloc = d16[0]
            col = lax.mul(lax.rem(dloc, 8), 16)
            for j in range(D // 16):
                wd_v[e, pl.ds(j * 16, 16)] = zeros16
            wd_v[e, pl.ds(col, 16)] = jnp.where(lane == 0, wvec, zeros16)
            return carry2

        lax.fori_loop(0, CHK, edge, 0, unroll=4)
        cp3 = pltpu.async_copy(wu_v, acc_sh.at[dstl_v], sem3, add=True)
        cp4 = pltpu.async_copy(wd_v, den_sh.at[dst8_v], sem4, add=True)
        cp3.wait()
        cp4.wait()
        return carry

    lax.fori_loop(0, KCH, chunk, 0)
    plsc.subcore_barrier()
    pltpu.sync_copy(
        acc_sh.at[pl.ds(sid * RPT, RPT), :],
        out_hbm.at[pl.ds(cid * NHALF + sid * RPT, RPT), :])
    pltpu.sync_copy(
        den_sh.at[pl.ds(sid * RPTD, RPTD), :],
        den_hbm.at[pl.ds(cid * DENH + sid * RPTD, RPTD), :])


def _finish(P, dn, b, g, be, flag):

    def body(p_ref, d_ref, b_ref, g_ref, be_ref, f_ref, o_ref):
        num = p_ref[:NN, :]
        den = d_ref[:NN, :]
        h = num / (den + 1e-16) + b_ref[...]
        mean = jnp.mean(h, axis=0)
        var = jnp.mean((h - mean) ** 2, axis=0)
        hn = (h - mean) / jnp.sqrt(var + 1e-5) * g_ref[...] + be_ref[...]
        bn = jnp.maximum(hn, 0.0)
        h64 = h[:, :64]
        m = jnp.max(h64, axis=1, keepdims=True)
        lse = m + jnp.log(jnp.sum(jnp.exp(h64 - m), axis=1, keepdims=True))
        ls = jnp.concatenate(
            [h64 - lse, jnp.zeros((NN, 64), jnp.float32)], axis=1)
        o_ref[...] = jnp.where(f_ref[0, 0] > 0.5, ls, bn)

    return pl.pallas_call(
        body,
        out_shape=jax.ShapeDtypeStruct((NN, D), jnp.float32),
    )(P, dn, b.reshape(1, D), g.reshape(1, D), be.reshape(1, D), flag)


def _den_cols(Pd):
    return Pd.reshape(ND8, 8, 16)[..., 0].reshape(NPAD, 1)


def kernel(x, edge_index, Wl0, Wr0, att0, b0, g0, be0,
           Wl1, Wr1, att1, b1, g1, be1, Wl2, Wr2, att2, b2):
    loops = jnp.arange(NN, dtype=jnp.int32)
    pad = jnp.full((EPAD - EE - NN,), NN, jnp.int32)
    src = jnp.concatenate([edge_index[0].astype(jnp.int32), loops, pad])
    dst = jnp.concatenate([edge_index[1].astype(jnp.int32), loops, pad])
    dstp = jnp.concatenate([dst, jnp.full((16,), NN, jnp.int32)])

    Wl2p = jnp.zeros((D, D), jnp.float32).at[:, :64].set(Wl2)
    Wr2p = jnp.zeros((D, D), jnp.float32).at[:, :64].set(Wr2)
    att2p = jnp.zeros((D,), jnp.float32).at[:64].set(att2)
    b2p = jnp.zeros((D,), jnp.float32).at[:64].set(b2)

    Wls = jnp.stack([Wl0, Wl1, Wl2p])
    Wrs = jnp.stack([Wr0, Wr1, Wr2p])
    atts = jnp.stack([att0, att1, att2p])
    bs = jnp.stack([b0, b1, b2p])
    gs = jnp.stack([g0, g1, jnp.ones((D,), jnp.float32)])
    bes = jnp.stack([be0, be1, jnp.zeros((D,), jnp.float32)])
    flags = jnp.array([0.0, 0.0, 1.0], jnp.float32).reshape(3, 1, 1)

    nl = jnp.int32(3) + (src[0] - src[0])

    def cond(c):
        i, _ = c
        return i < nl

    def body(c):
        i, h = c
        Wl = lax.dynamic_index_in_dim(Wls, i, 0, keepdims=False)
        Wr = lax.dynamic_index_in_dim(Wrs, i, 0, keepdims=False)
        att = lax.dynamic_index_in_dim(atts, i, 0, keepdims=False)
        b = lax.dynamic_index_in_dim(bs, i, 0, keepdims=False)
        g = lax.dynamic_index_in_dim(gs, i, 0, keepdims=False)
        be = lax.dynamic_index_in_dim(bes, i, 0, keepdims=False)
        fl = lax.dynamic_index_in_dim(flags, i, 0, keepdims=False)
        hp = jnp.zeros((NPAD, D), jnp.float32).at[:NN].set(h)
        xl, xr = _matmul2_tc(hp, Wl, Wr)
        P, Pd = _edge_kernel(xl, xr, src, dst, dstp, att)
        h2 = _finish(P, _den_cols(Pd), b, g, be, fl)
        return (i + jnp.int32(1), h2)

    _, h_final = lax.while_loop(cond, body, (jnp.int32(0), x))
    return h_final[:, :64]

# --- scband reference (transcript-rebuilt; emitter-appended) ---
"""Pipeline reference for scband-gatv2-41120016892387 (READ-ONLY COPY).

The authoritative reference and input builder live on the scoring server;
editing this copy changes nothing except your own understanding.
"""

import jax, jax.numpy as jnp
import numpy as np

N = 10000
E = 320000
D_IN = 128
D_HID = 128
D_OUT = 64
NEG_SLOPE = 0.2
BN_EPS = 1e-5


def setup_inputs(seed: int = 0) -> dict:
    key = jax.random.key(seed)
    ks = jax.random.split(key, 20)
    x = jax.random.normal(ks[0], (N, D_IN), dtype=jnp.float32)
    edge_index = jax.random.randint(ks[1], (2, E), 0, N, dtype=jnp.int32)

    def glorot(k, shape):
        fan = shape[0]
        return jax.random.normal(k, shape, dtype=jnp.float32) * (1.0 / np.sqrt(fan))

    inp = {
        'x': x,
        'edge_index': edge_index,
        # layer 0: GATv2Conv(128 -> 128), heads=1
        'Wl0': glorot(ks[2], (D_IN, D_HID)),
        'Wr0': glorot(ks[3], (D_IN, D_HID)),
        'att0': glorot(ks[4], (D_HID,)),
        'b0': jnp.zeros((D_HID,), dtype=jnp.float32),
        'g0': jnp.ones((D_HID,), dtype=jnp.float32),
        'be0': jnp.zeros((D_HID,), dtype=jnp.float32),
        # layer 1: GATv2Conv(128 -> 128), heads=1
        'Wl1': glorot(ks[5], (D_HID, D_HID)),
        'Wr1': glorot(ks[6], (D_HID, D_HID)),
        'att1': glorot(ks[7], (D_HID,)),
        'b1': jnp.zeros((D_HID,), dtype=jnp.float32),
        'g1': jnp.ones((D_HID,), dtype=jnp.float32),
        'be1': jnp.zeros((D_HID,), dtype=jnp.float32),
        # layer 2: GATv2Conv(128 -> 64), heads=1
        'Wl2': glorot(ks[8], (D_HID, D_OUT)),
        'Wr2': glorot(ks[9], (D_HID, D_OUT)),
        'att2': glorot(ks[10], (D_OUT,)),
        'b2': jnp.zeros((D_OUT,), dtype=jnp.float32),
    }
    return inp


def _gatv2_conv(x, src, dst, Wl, Wr, att, b):
    # GATv2: e_ij = att^T LeakyReLU(Wl x_j + Wr x_i), softmax over incoming edges of i
    xl = x @ Wl
    xr = x @ Wr
    m = jax.nn.leaky_relu(xl[src] + xr[dst], negative_slope=NEG_SLOPE)
    e = m @ att  # [E]
    emax = jax.ops.segment_max(e, dst, num_segments=N)
    emax = jnp.where(jnp.isfinite(emax), emax, 0.0)
    w = jnp.exp(e - emax[dst])
    denom = jax.ops.segment_sum(w, dst, num_segments=N)
    alpha = w / (denom[dst] + 1e-16)
    out = jax.ops.segment_sum(alpha[:, None] * xl[src], dst, num_segments=N)
    return out + b


def _batchnorm(h, g, b):
    mean = jnp.mean(h, axis=0)
    var = jnp.var(h, axis=0)
    return (h - mean) / jnp.sqrt(var + BN_EPS) * g + b


def reference(x, edge_index, Wl0, Wr0, att0, b0, g0, be0, Wl1, Wr1, att1, b1, g1, be1, Wl2, Wr2, att2, b2):
    # add self loops (GATv2Conv default add_self_loops=True)
    loops = jnp.arange(N, dtype=edge_index.dtype)
    src = jnp.concatenate([edge_index[0], loops])
    dst = jnp.concatenate([edge_index[1], loops])

    h = _gatv2_conv(x, src, dst, Wl0, Wr0, att0, b0)
    h = jax.nn.relu(_batchnorm(h, g0, be0))
    # dropout: eval mode -> identity
    h = _gatv2_conv(h, src, dst, Wl1, Wr1, att1, b1)
    h = jax.nn.relu(_batchnorm(h, g1, be1))
    h = _gatv2_conv(h, src, dst, Wl2, Wr2, att2, b2)
    return jax.nn.log_softmax(h, axis=-1)

if __name__ == "__main__":
    import jax
    _d = setup_inputs()
    print(jax.jit(kernel)(*tuple(_d.values())))

</pallas_src>

<mosaic_0001>
#map = affine_map<(d0, d1) -> (0, 0)>
#map1 = affine_map<(d0, d1) -> (0)>
module attributes {stable_mosaic.version = 14 : i64} {
  func.func @_edge_kernel(%arg0: i32, %arg1: i32, %arg2: memref<10240x128xf32, #tpu.memory_space<hbm>>, %arg3: memref<10240x128xf32, #tpu.memory_space<hbm>>, %arg4: memref<331776xi32, #tpu.memory_space<hbm>>, %arg5: memref<331776xi32, #tpu.memory_space<hbm>>, %arg6: memref<331792xi32, #tpu.memory_space<hbm>>, %arg7: memref<128xf32, #tpu.memory_space<hbm>>, %arg8: memref<10240x128xf32, #tpu.memory_space<hbm>>, %arg9: memref<1280x128xf32, #tpu.memory_space<hbm>>, %arg10: memref<128xi32, #tpu.memory_space<vmem>>, %arg11: memref<128xi32, #tpu.memory_space<vmem>>, %arg12: memref<144xi32, #tpu.memory_space<vmem>>, %arg13: memref<128xi32, #tpu.memory_space<vmem>>, %arg14: memref<128xi32, #tpu.memory_space<vmem>>, %arg15: memref<128x128xf32, #tpu.memory_space<vmem>>, %arg16: memref<128x128xf32, #tpu.memory_space<vmem>>, %arg17: memref<128x128xf32, #tpu.memory_space<vmem>>, %arg18: memref<128x128xf32, #tpu.memory_space<vmem>>, %arg19: memref<128x128xf32, #tpu.memory_space<vmem>>, %arg20: memref<128xf32, #tpu.memory_space<vmem>>, %arg21: memref<5128x128xf32, #tpu.memory_space<vmem_shared>>, %arg22: memref<648x128xf32, #tpu.memory_space<vmem_shared>>, %arg23: memref<!tpu.dma_semaphore, #tpu.memory_space<semaphore_mem>>, %arg24: memref<!tpu.dma_semaphore, #tpu.memory_space<semaphore_mem>>, %arg25: memref<!tpu.dma_semaphore, #tpu.memory_space<semaphore_mem>>, %arg26: memref<!tpu.dma_semaphore, #tpu.memory_space<semaphore_mem>>) attributes {dimension_semantics = [#tpu.dimension_semantics<core_parallel>, #tpu.dimension_semantics<subcore_parallel>], iteration_bounds = array<i64: 2, 16>, scalar_prefetch = 0 : i64, scratch_operands = 17 : i64, tpu.core_type = #tpu.core_type<sc_vector_subcore>, window_params = [{transform_indices = #map}, {transform_indices = #map}, {transform_indices = #map1}, {transform_indices = #map1}, {transform_indices = #map1}, {transform_indices = #map1}, {transform_indices = #map}, {transform_indices = #map}]} {
    "tpu.region"() ({
      %run_scoped3A = tpu.sem_alloc : memref<!tpu.dma_semaphore, #tpu.memory_space<semaphore_mem>>
      tpu.enqueue_dma source(%arg7 : memref<128xf32, #tpu.memory_space<hbm>>) target(%arg20 : memref<128xf32, #tpu.memory_space<vmem>>) target_semaphore(%run_scoped3A : memref<!tpu.dma_semaphore, #tpu.memory_space<semaphore_mem>>)
      tpu.wait_dma2 semaphore(%run_scoped3A : memref<!tpu.dma_semaphore, #tpu.memory_space<semaphore_mem>>) src(%arg7 : memref<128xf32, #tpu.memory_space<hbm>>) dst(%arg20 : memref<128xf32, #tpu.memory_space<vmem>>)
      tpu.yield
    }) : () -> ()
    %broadcast_in_dim3A = arith.constant 0.000000e+00 : f32
    %broadcast_in_dim3A_0 = vector.broadcast %broadcast_in_dim3A : f32 to vector<16xf32>
    %scan3A = arith.constant 0 : i32
    %scan3A_1 = arith.constant 0 : i32
    %scan3A_2 = arith.constant 128 : i32
    %scan3A_3 = arith.addi %scan3A_1, %scan3A_2 : i32
    %scan3A_4 = arith.constant 1 : i32
    scf.for %scan3A_56 = %scan3A_1 to %scan3A_3 step %scan3A_4  : i32 {
      %swap3A = arith.index_cast %scan3A_56 : i32 to index
      %swap3A_57 = arith.constant 0 : index
      %swap3A_58 = tpu.vector_load %arg19[%swap3A, %swap3A_57] {strides = array<i32>} : memref<128x128xf32, #tpu.memory_space<vmem>>, vector<16xf32>,
      tpu.vector_store %arg19[%swap3A, %swap3A_57], %broadcast_in_dim3A_0 {strides = array<i32>} : memref<128x128xf32, #tpu.memory_space<vmem>>, vector<16xf32>,
      %swap3A_59 = arith.index_cast %scan3A_56 : i32 to index
      %swap3A_60 = arith.constant 0 : index
      %swap3A_61 = tpu.vector_load %arg18[%swap3A_59, %swap3A_60] {strides = array<i32>} : memref<128x128xf32, #tpu.memory_space<vmem>>, vector<16xf32>,
      tpu.vector_store %arg18[%swap3A_59, %swap3A_60], %broadcast_in_dim3A_0 {strides = array<i32>} : memref<128x128xf32, #tpu.memory_space<vmem>>, vector<16xf32>,
      %swap3A_62 = arith.index_cast %scan3A_56 : i32 to index
      %swap3A_63 = arith.constant 16 : index
      %swap3A_64 = tpu.vector_load %arg19[%swap3A_62, %swap3A_63] {strides = array<i32>} : memref<128x128xf32, #tpu.memory_space<vmem>>, vector<16xf32>,
      tpu.vector_store %arg19[%swap3A_62, %swap3A_63], %broadcast_in_dim3A_0 {strides = array<i32>} : memref<128x128xf32, #tpu.memory_space<vmem>>, vector<16xf32>,
      %swap3A_65 = arith.index_cast %scan3A_56 : i32 to index
      %swap3A_66 = arith.constant 16 : index
      %swap3A_67 = tpu.vector_load %arg18[%swap3A_65, %swap3A_66] {strides = array<i32>} : memref<128x128xf32, #tpu.memory_space<vmem>>, vector<16xf32>,
      tpu.vector_store %arg18[%swap3A_65, %swap3A_66], %broadcast_in_dim3A_0 {strides = array<i32>} : memref<128x128xf32, #tpu.memory_space<vmem>>, vector<16xf32>,
      %swap3A_68 = arith.index_cast %scan3A_56 : i32 to index
      %swap3A_69 = arith.constant 32 : index
      %swap3A_70 = tpu.vector_load %arg19[%swap3A_68, %swap3A_69] {strides = array<i32>} : memref<128x128xf32, #tpu.memory_space<vmem>>, vector<16xf32>,
      tpu.vector_store %arg19[%swap3A_68, %swap3A_69], %broadcast_in_dim3A_0 {strides = array<i32>} : memref<128x128xf32, #tpu.memory_space<vmem>>, vector<16xf32>,
      %swap3A_71 = arith.index_cast %scan3A_56 : i32 to index
      %swap3A_72 = arith.constant 32 : index
      %swap3A_73 = tpu.vector_load %arg18[%swap3A_71, %swap3A_72] {strides = array<i32>} : memref<128x128xf32, #tpu.memory_space<vmem>>, vector<16xf32>,
      tpu.vector_store %arg18[%swap3A_71, %swap3A_72], %broadcast_in_dim3A_0 {strides = array<i32>} : memref<128x128xf32, #tpu.memory_space<vmem>>, vector<16xf32>,
      %swap3A_74 = arith.index_cast %scan3A_56 : i32 to index
      %swap3A_75 = arith.constant 48 : index
      %swap3A_76 = tpu.vector_load %arg19[%swap3A_74, %swap3A_75] {strides = array<i32>} : memref<128x128xf32, #tpu.memory_space<vmem>>, vector<16xf32>,
      tpu.vector_store %arg19[%swap3A_74, %swap3A_75], %broadcast_in_dim3A_0 {strides = array<i32>} : memref<128x128xf32, #tpu.memory_space<vmem>>, vector<16xf32>,
      %swap3A_77 = arith.index_cast %scan3A_56 : i32 to index
      %swap3A_78 = arith.constant 48 : index
      %swap3A_79 = tpu.vector_load %arg18[%swap3A_77, %swap3A_78] {strides = array<i32>} : memref<128x128xf32, #tpu.memory_space<vmem>>, vector<16xf32>,
      tpu.vector_store %arg18[%swap3A_77, %swap3A_78], %broadcast_in_dim3A_0 {strides = array<i32>} : memref<128x128xf32, #tpu.memory_space<vmem>>, vector<16xf32>,
      %swap3A_80 = arith.index_cast %scan3A_56 : i32 to index
      %swap3A_81 = arith.constant 64 : index
      %swap3A_82 = tpu.vector_load %arg19[%swap3A_80, %swap3A_81] {strides = array<i32>} : memref<128x128xf32, #tpu.memory_space<vmem>>, vector<16xf32>,
      tpu.vector_store %arg19[%swap3A_80, %swap3A_81], %broadcast_in_dim3A_0 {strides = array<i32>} : memref<128x128xf32, #tpu.memory_space<vmem>>, vector<16xf32>,
      %swap3A_83 = arith.index_cast %scan3A_56 : i32 to index
      %swap3A_84 = arith.constant 64 : index
      %swap3A_85 = tpu.vector_load %arg18[%swap3A_83, %swap3A_84] {strides = array<i32>} : memref<128x128xf32, #tpu.memory_space<vmem>>, vector<16xf32>,
      tpu.vector_store %arg18[%swap3A_83, %swap3A_84], %broadcast_in_dim3A_0 {strides = array<i32>} : memref<128x128xf32, #tpu.memory_space<vmem>>, vector<16xf32>,
      %swap3A_86 = arith.index_cast %scan3A_56 : i32 to index
      %swap3A_87 = arith.constant 80 : index
      %swap3A_88 = tpu.vector_load %arg19[%swap3A_86, %swap3A_87] {strides = array<i32>} : memref<128x128xf32, #tpu.memory_space<vmem>>, vector<16xf32>,
      tpu.vector_store %arg19[%swap3A_86, %swap3A_87], %broadcast_in_dim3A_0 {strides = array<i32>} : memref<128x128xf32, #tpu.memory_space<vmem>>, vector<16xf32>,
      %swap3A_89 = arith.index_cast %scan3A_56 : i32 to index
      %swap3A_90 = arith.constant 80 : index
      %swap3A_91 = tpu.vector_load %arg18[%swap3A_89, %swap3A_90] {strides = array<i32>} : memref<128x128xf32, #tpu.memory_space<vmem>>, vector<16xf32>,
      tpu.vector_store %arg18[%swap3A_89, %swap3A_90], %broadcast_in_dim3A_0 {strides = array<i32>} : memref<128x128xf32, #tpu.memory_space<vmem>>, vector<16xf32>,
      %swap3A_92 = arith.index_cast %scan3A_56 : i32 to index
      %swap3A_93 = arith.constant 96 : index
      %swap3A_94 = tpu.vector_load %arg19[%swap3A_92, %swap3A_93] {strides = array<i32>} : memref<128x128xf32, #tpu.memory_space<vmem>>, vector<16xf32>,
      tpu.vector_store %arg19[%swap3A_92, %swap3A_93], %broadcast_in_dim3A_0 {strides = array<i32>} : memref<128x128xf32, #tpu.memory_space<vmem>>, vector<16xf32>,
      %swap3A_95 = arith.index_cast %scan3A_56 : i32 to index
      %swap3A_96 = arith.constant 96 : index
      %swap3A_97 = tpu.vector_load %arg18[%swap3A_95, %swap3A_96] {strides = array<i32>} : memref<128x128xf32, #tpu.memory_space<vmem>>, vector<16xf32>,
      tpu.vector_store %arg18[%swap3A_95, %swap3A_96], %broadcast_in_dim3A_0 {strides = array<i32>} : memref<128x128xf32, #tpu.memory_space<vmem>>, vector<16xf32>,
      %swap3A_98 = arith.index_cast %scan3A_56 : i32 to index
      %swap3A_99 = arith.constant 112 : index
      %swap3A_100 = tpu.vector_load %arg19[%swap3A_98, %swap3A_99] {strides = array<i32>} : memref<128x128xf32, #tpu.memory_space<vmem>>, vector<16xf32>,
      tpu.vector_store %arg19[%swap3A_98, %swap3A_99], %broadcast_in_dim3A_0 {strides = array<i32>} : memref<128x128xf32, #tpu.memory_space<vmem>>, vector<16xf32>,
      %swap3A_101 = arith.index_cast %scan3A_56 : i32 to index
      %swap3A_102 = arith.constant 112 : index
      %swap3A_103 = tpu.vector_load %arg18[%swap3A_101, %swap3A_102] {strides = array<i32>} : memref<128x128xf32, #tpu.memory_space<vmem>>, vector<16xf32>,
      tpu.vector_store %arg18[%swap3A_101, %swap3A_102], %broadcast_in_dim3A_0 {strides = array<i32>} : memref<128x128xf32, #tpu.memory_space<vmem>>, vector<16xf32>,
    }
    %scan3A_5 = arith.constant 128 : i32
    %mul3A = arith.constant 320 : i32
    %mul3A_6 = arith.muli %arg1, %mul3A : i32
    %add3A = arith.constant 0 : i32
    %add3A_7 = arith.addi %mul3A_6, %add3A : i32
    "tpu.region"() ({
      %run_scoped3A = tpu.sem_alloc : memref<!tpu.dma_semaphore, #tpu.memory_space<semaphore_mem>>
      %dma_start3A = arith.constant 0 : i32
      %dma_start3A_56 = tpu.memref_slice %arg21[%add3A_7, %dma_start3A] : memref<5128x128xf32, #tpu.memory_space<vmem_shared>> -> memref<128x128xf32, #tpu.memory_space<vmem_shared>>
      %dma_start3A_57 = arith.constant 0 : i32
      %dma_start3A_58 = tpu.memref_slice %arg21[%add3A_7, %dma_start3A_57] : memref<5128x128xf32, #tpu.memory_space<vmem_shared>> -> memref<128x128xf32, #tpu.memory_space<vmem_shared>>
      tpu.enqueue_dma source(%arg19 : memref<128x128xf32, #tpu.memory_space<vmem>>) target(%dma_start3A_58 : memref<128x128xf32, #tpu.memory_space<vmem_shared>>) target_semaphore(%run_scoped3A : memref<!tpu.dma_semaphore, #tpu.memory_space<semaphore_mem>>)
      %dma_wait3A = arith.constant 0 : i32
      %dma_wait3A_59 = tpu.memref_slice %arg21[%add3A_7, %dma_wait3A] : memref<5128x128xf32, #tpu.memory_space<vmem_shared>> -> memref<128x128xf32, #tpu.memory_space<vmem_shared>>
      %dma_wait3A_60 = arith.constant 0 : i32
      %dma_wait3A_61 = tpu.memref_slice %arg21[%add3A_7, %dma_wait3A_60] : memref<5128x128xf32, #tpu.memory_space<vmem_shared>> -> memref<128x128xf32, #tpu.memory_space<vmem_shared>>
      tpu.wait_dma2 semaphore(%run_scoped3A : memref<!tpu.dma_semaphore, #tpu.memory_space<semaphore_mem>>) src(%arg19 : memref<128x128xf32, #tpu.memory_space<vmem>>) dst(%dma_wait3A_61 : memref<128x128xf32, #tpu.memory_space<vmem_shared>>)
      tpu.yield
    }) : () -> ()
    %mul3A_8 = arith.constant 320 : i32
    %mul3A_9 = arith.muli %arg1, %mul3A_8 : i32
    %add3A_10 = arith.constant 128 : i32
    %add3A_11 = arith.addi %mul3A_9, %add3A_10 : i32
    "tpu.region"() ({
      %run_scoped3A = tpu.sem_alloc : memref<!tpu.dma_semaphore, #tpu.memory_space<semaphore_mem>>
      %dma_start3A = arith.constant 0 : i32
      %dma_start3A_56 = tpu.memref_slice %arg21[%add3A_11, %dma_start3A] : memref<5128x128xf32, #tpu.memory_space<vmem_shared>> -> memref<128x128xf32, #tpu.memory_space<vmem_shared>>
      %dma_start3A_57 = arith.constant 0 : i32
      %dma_start3A_58 = tpu.memref_slice %arg21[%add3A_11, %dma_start3A_57] : memref<5128x128xf32, #tpu.memory_space<vmem_shared>> -> memref<128x128xf32, #tpu.memory_space<vmem_shared>>
      tpu.enqueue_dma source(%arg19 : memref<128x128xf32, #tpu.memory_space<vmem>>) target(%dma_start3A_58 : memref<128x128xf32, #tpu.memory_space<vmem_shared>>) target_semaphore(%run_scoped3A : memref<!tpu.dma_semaphore, #tpu.memory_space<semaphore_mem>>)
      %dma_wait3A = arith.constant 0 : i32
      %dma_wait3A_59 = tpu.memref_slice %arg21[%add3A_11, %dma_wait3A] : memref<5128x128xf32, #tpu.memory_space<vmem_shared>> -> memref<128x128xf32, #tpu.memory_space<vmem_shared>>
      %dma_wait3A_60 = arith.constant 0 : i32
      %dma_wait3A_61 = tpu.memref_slice %arg21[%add3A_11, %dma_wait3A_60] : memref<5128x128xf32, #tpu.memory_space<vmem_shared>> -> memref<128x128xf32, #tpu.memory_space<vmem_shared>>
      tpu.wait_dma2 semaphore(%run_scoped3A : memref<!tpu.dma_semaphore, #tpu.memory_space<semaphore_mem>>) src(%arg19 : memref<128x128xf32, #tpu.memory_space<vmem>>) dst(%dma_wait3A_61 : memref<128x128xf32, #tpu.memory_space<vmem_shared>>)
      tpu.yield
    }) : () -> ()
    %mul3A_12 = arith.constant 320 : i32
    %mul3A_13 = arith.muli %arg1, %mul3A_12 : i32
    %add3A_14 = arith.constant 256 : i32
    %add3A_15 = arith.addi %mul3A_13, %add3A_14 : i32
    "tpu.region"() ({
      %run_scoped3A = tpu.sem_alloc : memref<!tpu.dma_semaphore, #tpu.memory_space<semaphore_mem>>
      %dma_start3A = arith.constant 0 : i32
      %dma_start3A_56 = arith.constant 0 : i32
      %dma_start3A_57 = tpu.memref_slice %arg19[%dma_start3A, %dma_start3A_56] : memref<128x128xf32, #tpu.memory_space<vmem>> -> memref<64x128xf32, #tpu.memory_space<vmem>>
      %dma_start3A_58 = arith.constant 0 : i32
      %dma_start3A_59 = tpu.memref_slice %arg21[%add3A_15, %dma_start3A_58] : memref<5128x128xf32, #tpu.memory_space<vmem_shared>> -> memref<64x128xf32, #tpu.memory_space<vmem_shared>>
      %dma_start3A_60 = arith.constant 0 : i32
      %dma_start3A_61 = tpu.memref_slice %arg21[%add3A_15, %dma_start3A_60] : memref<5128x128xf32, #tpu.memory_space<vmem_shared>> -> memref<64x128xf32, #tpu.memory_space<vmem_shared>>
      %dma_start3A_62 = arith.constant 0 : i32
      %dma_start3A_63 = arith.constant 0 : i32
      %dma_start3A_64 = tpu.memref_slice %arg19[%dma_start3A_62, %dma_start3A_63] : memref<128x128xf32, #tpu.memory_space<vmem>> -> memref<64x128xf32, #tpu.memory_space<vmem>>
      tpu.enqueue_dma source(%dma_start3A_64 : memref<64x128xf32, #tpu.memory_space<vmem>>) target(%dma_start3A_61 : memref<64x128xf32, #tpu.memory_space<vmem_shared>>) target_semaphore(%run_scoped3A : memref<!tpu.dma_semaphore, #tpu.memory_space<semaphore_mem>>)
      %dma_wait3A = arith.constant 0 : i32
      %dma_wait3A_65 = arith.constant 0 : i32
      %dma_wait3A_66 = tpu.memref_slice %arg19[%dma_wait3A, %dma_wait3A_65] : memref<128x128xf32, #tpu.memory_space<vmem>> -> memref<64x128xf32, #tpu.memory_space<vmem>>
      %dma_wait3A_67 = arith.constant 0 : i32
      %dma_wait3A_68 = tpu.memref_slice %arg21[%add3A_15, %dma_wait3A_67] : memref<5128x128xf32, #tpu.memory_space<vmem_shared>> -> memref<64x128xf32, #tpu.memory_space<vmem_shared>>
      %dma_wait3A_69 = arith.constant 0 : i32
      %dma_wait3A_70 = tpu.memref_slice %arg21[%add3A_15, %dma_wait3A_69] : memref<5128x128xf32, #tpu.memory_space<vmem_shared>> -> memref<64x128xf32, #tpu.memory_space<vmem_shared>>
      %dma_wait3A_71 = arith.constant 0 : i32
      %dma_wait3A_72 = arith.constant 0 : i32
      %dma_wait3A_73 = tpu.memref_slice %arg19[%dma_wait3A_71, %dma_wait3A_72] : memref<128x128xf32, #tpu.memory_space<vmem>> -> memref<64x128xf32, #tpu.memory_space<vmem>>
      tpu.wait_dma2 semaphore(%run_scoped3A : memref<!tpu.dma_semaphore, #tpu.memory_space<semaphore_mem>>) src(%dma_wait3A_73 : memref<64x128xf32, #tpu.memory_space<vmem>>) dst(%dma_wait3A_70 : memref<64x128xf32, #tpu.memory_space<vmem_shared>>)
      tpu.yield
    }) : () -> ()
    %mul3A_16 = arith.constant 40 : i32
    %mul3A_17 = arith.muli %arg1, %mul3A_16 : i32
    "tpu.region"() ({
      %run_scoped3A = tpu.sem_alloc : memref<!tpu.dma_semaphore, #tpu.memory_space<semaphore_mem>>
      %dma_start3A = arith.constant 0 : i32
      %dma_start3A_56 = arith.constant 0 : i32
      %dma_start3A_57 = tpu.memref_slice %arg19[%dma_start3A, %dma_start3A_56] : memref<128x128xf32, #tpu.memory_space<vmem>> -> memref<40x128xf32, #tpu.memory_space<vmem>>
      %dma_start3A_58 = arith.constant 0 : i32
      %dma_start3A_59 = tpu.memref_slice %arg22[%mul3A_17, %dma_start3A_58] : memref<648x128xf32, #tpu.memory_space<vmem_shared>> -> memref<40x128xf32, #tpu.memory_space<vmem_shared>>
      %dma_start3A_60 = arith.constant 0 : i32
      %dma_start3A_61 = tpu.memref_slice %arg22[%mul3A_17, %dma_start3A_60] : memref<648x128xf32, #tpu.memory_space<vmem_shared>> -> memref<40x128xf32, #tpu.memory_space<vmem_shared>>
      %dma_start3A_62 = arith.constant 0 : i32
      %dma_start3A_63 = arith.constant 0 : i32
      %dma_start3A_64 = tpu.memref_slice %arg19[%dma_start3A_62, %dma_start3A_63] : memref<128x128xf32, #tpu.memory_space<vmem>> -> memref<40x128xf32, #tpu.memory_space<vmem>>
      tpu.enqueue_dma source(%dma_start3A_64 : memref<40x128xf32, #tpu.memory_space<vmem>>) target(%dma_start3A_61 : memref<40x128xf32, #tpu.memory_space<vmem_shared>>) target_semaphore(%run_scoped3A : memref<!tpu.dma_semaphore, #tpu.memory_space<semaphore_mem>>)
      %dma_wait3A = arith.constant 0 : i32
      %dma_wait3A_65 = arith.constant 0 : i32
      %dma_wait3A_66 = tpu.memref_slice %arg19[%dma_wait3A, %dma_wait3A_65] : memref<128x128xf32, #tpu.memory_space<vmem>> -> memref<40x128xf32, #tpu.memory_space<vmem>>
      %dma_wait3A_67 = arith.constant 0 : i32
      %dma_wait3A_68 = tpu.memref_slice %arg22[%mul3A_17, %dma_wait3A_67] : memref<648x128xf32, #tpu.memory_space<vmem_shared>> -> memref<40x128xf32, #tpu.memory_space<vmem_shared>>
      %dma_wait3A_69 = arith.constant 0 : i32
      %dma_wait3A_70 = tpu.memref_slice %arg22[%mul3A_17, %dma_wait3A_69] : memref<648x128xf32, #tpu.memory_space<vmem_shared>> -> memref<40x128xf32, #tpu.memory_space<vmem_shared>>
      %dma_wait3A_71 = arith.constant 0 : i32
      %dma_wait3A_72 = arith.constant 0 : i32
      %dma_wait3A_73 = tpu.memref_slice %arg19[%dma_wait3A_71, %dma_wait3A_72] : memref<128x128xf32, #tpu.memory_space<vmem>> -> memref<40x128xf32, #tpu.memory_space<vmem>>
      tpu.wait_dma2 semaphore(%run_scoped3A : memref<!tpu.dma_semaphore, #tpu.memory_space<semaphore_mem>>) src(%dma_wait3A_73 : memref<40x128xf32, #tpu.memory_space<vmem>>) dst(%dma_wait3A_70 : memref<40x128xf32, #tpu.memory_space<vmem_shared>>)
      tpu.yield
    }) : () -> ()
    %eq3A = arith.constant 0 : i32
    %eq3A_18 = arith.cmpi eq, %arg1, %eq3A : i32
    %convert_element_type3A = arith.extui %eq3A_18 : i1 to i32
    %cond3A = arith.constant 0 : i32
    %cond3A_19 = arith.cmpi ne, %convert_element_type3A, %cond3A : i32
    scf.if %cond3A_19 {
      "tpu.region"() ({
        %run_scoped3A = tpu.sem_alloc : memref<!tpu.dma_semaphore, #tpu.memory_space<semaphore_mem>>
        %dma_start3A = arith.constant 0 : i32
        %dma_start3A_56 = arith.constant 0 : i32
        %dma_start3A_57 = tpu.memref_slice %arg19[%dma_start3A, %dma_start3A_56] : memref<128x128xf32, #tpu.memory_space<vmem>> -> memref<8x128xf32, #tpu.memory_space<vmem>>
        %dma_start3A_58 = arith.constant 5120 : i32
        %dma_start3A_59 = arith.constant 0 : i32
        %dma_start3A_60 = tpu.memref_slice %arg21[%dma_start3A_58, %dma_start3A_59] : memref<5128x128xf32, #tpu.memory_space<vmem_shared>> -> memref<8x128xf32, #tpu.memory_space<vmem_shared>>
        %dma_start3A_61 = arith.constant 5120 : i32
        %dma_start3A_62 = arith.constant 0 : i32
        %dma_start3A_63 = tpu.memref_slice %arg21[%dma_start3A_61, %dma_start3A_62] : memref<5128x128xf32, #tpu.memory_space<vmem_shared>> -> memref<8x128xf32, #tpu.memory_space<vmem_shared>>
        %dma_start3A_64 = arith.constant 0 : i32
        %dma_start3A_65 = arith.constant 0 : i32
        %dma_start3A_66 = tpu.memref_slice %arg19[%dma_start3A_64, %dma_start3A_65] : memref<128x128xf32, #tpu.memory_space<vmem>> -> memref<8x128xf32, #tpu.memory_space<vmem>>
        tpu.enqueue_dma source(%dma_start3A_66 : memref<8x128xf32, #tpu.memory_space<vmem>>) target(%dma_start3A_63 : memref<8x128xf32, #tpu.memory_space<vmem_shared>>) target_semaphore(%run_scoped3A : memref<!tpu.dma_semaphore, #tpu.memory_space<semaphore_mem>>)
        %dma_wait3A = arith.constant 0 : i32
        %dma_wait3A_67 = arith.constant 0 : i32
        %dma_wait3A_68 = tpu.memref_slice %arg19[%dma_wait3A, %dma_wait3A_67] : memref<128x128xf32, #tpu.memory_space<vmem>> -> memref<8x128xf32, #tpu.memory_space<vmem>>
        %dma_wait3A_69 = arith.constant 5120 : i32
        %dma_wait3A_70 = arith.constant 0 : i32
        %dma_wait3A_71 = tpu.memref_slice %arg21[%dma_wait3A_69, %dma_wait3A_70] : memref<5128x128xf32, #tpu.memory_space<vmem_shared>> -> memref<8x128xf32, #tpu.memory_space<vmem_shared>>
        %dma_wait3A_72 = arith.constant 5120 : i32
        %dma_wait3A_73 = arith.constant 0 : i32
        %dma_wait3A_74 = tpu.memref_slice %arg21[%dma_wait3A_72, %dma_wait3A_73] : memref<5128x128xf32, #tpu.memory_space<vmem_shared>> -> memref<8x128xf32, #tpu.memory_space<vmem_shared>>
        %dma_wait3A_75 = arith.constant 0 : i32
        %dma_wait3A_76 = arith.constant 0 : i32
        %dma_wait3A_77 = tpu.memref_slice %arg19[%dma_wait3A_75, %dma_wait3A_76] : memref<128x128xf32, #tpu.memory_space<vmem>> -> memref<8x128xf32, #tpu.memory_space<vmem>>
        tpu.wait_dma2 semaphore(%run_scoped3A : memref<!tpu.dma_semaphore, #tpu.memory_space<semaphore_mem>>) src(%dma_wait3A_77 : memref<8x128xf32, #tpu.memory_space<vmem>>) dst(%dma_wait3A_74 : memref<8x128xf32, #tpu.memory_space<vmem_shared>>)
        tpu.yield
      }) : () -> ()
      "tpu.region"() ({
        %run_scoped3A = tpu.sem_alloc : memref<!tpu.dma_semaphore, #tpu.memory_space<semaphore_mem>>
        %dma_start3A = arith.constant 0 : i32
        %dma_start3A_56 = arith.constant 0 : i32
        %dma_start3A_57 = tpu.memref_slice %arg19[%dma_start3A, %dma_start3A_56] : memref<128x128xf32, #tpu.memory_space<vmem>> -> memref<8x128xf32, #tpu.memory_space<vmem>>
        %dma_start3A_58 = arith.constant 640 : i32
        %dma_start3A_59 = arith.constant 0 : i32
        %dma_start3A_60 = tpu.memref_slice %arg22[%dma_start3A_58, %dma_start3A_59] : memref<648x128xf32, #tpu.memory_space<vmem_shared>> -> memref<8x128xf32, #tpu.memory_space<vmem_shared>>
        %dma_start3A_61 = arith.constant 640 : i32
        %dma_start3A_62 = arith.constant 0 : i32
        %dma_start3A_63 = tpu.memref_slice %arg22[%dma_start3A_61, %dma_start3A_62] : memref<648x128xf32, #tpu.memory_space<vmem_shared>> -> memref<8x128xf32, #tpu.memory_space<vmem_shared>>
        %dma_start3A_64 = arith.constant 0 : i32
        %dma_start3A_65 = arith.constant 0 : i32
        %dma_start3A_66 = tpu.memref_slice %arg19[%dma_start3A_64, %dma_start3A_65] : memref<128x128xf32, #tpu.memory_space<vmem>> -> memref<8x128xf32, #tpu.memory_space<vmem>>
        tpu.enqueue_dma source(%dma_start3A_66 : memref<8x128xf32, #tpu.memory_space<vmem>>) target(%dma_start3A_63 : memref<8x128xf32, #tpu.memory_space<vmem_shared>>) target_semaphore(%run_scoped3A : memref<!tpu.dma_semaphore, #tpu.memory_space<semaphore_mem>>)
        %dma_wait3A = arith.constant 0 : i32
        %dma_wait3A_67 = arith.constant 0 : i32
        %dma_wait3A_68 = tpu.memref_slice %arg19[%dma_wait3A, %dma_wait3A_67] : memref<128x128xf32, #tpu.memory_space<vmem>> -> memref<8x128xf32, #tpu.memory_space<vmem>>
        %dma_wait3A_69 = arith.constant 640 : i32
        %dma_wait3A_70 = arith.constant 0 : i32
        %dma_wait3A_71 = tpu.memref_slice %arg22[%dma_wait3A_69, %dma_wait3A_70] : memref<648x128xf32, #tpu.memory_space<vmem_shared>> -> memref<8x128xf32, #tpu.memory_space<vmem_shared>>
        %dma_wait3A_72 = arith.constant 640 : i32
        %dma_wait3A_73 = arith.constant 0 : i32
        %dma_wait3A_74 = tpu.memref_slice %arg22[%dma_wait3A_72, %dma_wait3A_73] : memref<648x128xf32, #tpu.memory_space<vmem_shared>> -> memref<8x128xf32, #tpu.memory_space<vmem_shared>>
        %dma_wait3A_75 = arith.constant 0 : i32
        %dma_wait3A_76 = arith.constant 0 : i32
        %dma_wait3A_77 = tpu.memref_slice %arg19[%dma_wait3A_75, %dma_wait3A_76] : memref<128x128xf32, #tpu.memory_space<vmem>> -> memref<8x128xf32, #tpu.memory_space<vmem>>
        tpu.wait_dma2 semaphore(%run_scoped3A : memref<!tpu.dma_semaphore, #tpu.memory_space<semaphore_mem>>) src(%dma_wait3A_77 : memref<8x128xf32, #tpu.memory_space<vmem>>) dst(%dma_wait3A_74 : memref<8x128xf32, #tpu.memory_space<vmem_shared>>)
        tpu.yield
      }) : () -> ()
    } else {
    }
    %barrier3A = arith.constant 0 : index
    tpu.barrier barrier_id(%barrier3A)
    %iota3A = tpu.iota {dimensions = array<i32: 0>} : vector<16xi32>
    %get3A = arith.constant 0 : index
    %get3A_20 = tpu.vector_load %arg20[%get3A] {strides = array<i32>} : memref<128xf32, #tpu.memory_space<vmem>>, vector<16xf32>,
    %get3A_21 = arith.constant 16 : index
    %get3A_22 = tpu.vector_load %arg20[%get3A_21] {strides = array<i32>} : memref<128xf32, #tpu.memory_space<vmem>>, vector<16xf32>,
    %get3A_23 = arith.constant 32 : index
    %get3A_24 = tpu.vector_load %arg20[%get3A_23] {strides = array<i32>} : memref<128xf32, #tpu.memory_space<vmem>>, vector<16xf32>,
    %get3A_25 = arith.constant 48 : index
    %get3A_26 = tpu.vector_load %arg20[%get3A_25] {strides = array<i32>} : memref<128xf32, #tpu.memory_space<vmem>>, vector<16xf32>,
    %get3A_27 = arith.constant 64 : index
    %get3A_28 = tpu.vector_load %arg20[%get3A_27] {strides = array<i32>} : memref<128xf32, #tpu.memory_space<vmem>>, vector<16xf32>,
    %get3A_29 = arith.constant 80 : index
    %get3A_30 = tpu.vector_load %arg20[%get3A_29] {strides = array<i32>} : memref<128xf32, #tpu.memory_space<vmem>>, vector<16xf32>,
    %get3A_31 = arith.constant 96 : index
    %get3A_32 = tpu.vector_load %arg20[%get3A_31] {strides = array<i32>} : memref<128xf32, #tpu.memory_space<vmem>>, vector<16xf32>,
    %get3A_33 = arith.constant 112 : index
    %get3A_34 = tpu.vector_load %arg20[%get3A_33] {strides = array<i32>} : memref<128xf32, #tpu.memory_space<vmem>>, vector<16xf32>,
    %scan3A_35 = arith.constant 0 : i32
    %scan3A_36 = arith.constant 0 : i32
    %scan3A_37 = arith.constant 162 : i32
    %scan3A_38 = arith.addi %scan3A_36, %scan3A_37 : i32
    %scan3A_39 = arith.constant 1 : i32
    scf.for %scan3A_56 = %scan3A_36 to %scan3A_38 step %scan3A_39  : i32 {
      %mul3A_57 = arith.constant 20736 : i32
      %mul3A_58 = arith.muli %arg1, %mul3A_57 : i32
      %mul3A_59 = arith.constant 128 : i32
      %mul3A_60 = arith.muli %scan3A_56, %mul3A_59 : i32
      %add3A_61 = arith.addi %mul3A_58, %mul3A_60 : i32
      "tpu.region"() ({
        %run_scoped3A = tpu.sem_alloc : memref<!tpu.dma_semaphore, #tpu.memory_space<semaphore_mem>>
        %dma_start3A_350 = tpu.memref_slice %arg4[%add3A_61] : memref<331776xi32, #tpu.memory_space<hbm>> -> memref<128xi32, #tpu.memory_space<hbm>>
        %dma_start3A_351 = tpu.memref_slice %arg4[%add3A_61] : memref<331776xi32, #tpu.memory_space<hbm>> -> memref<128xi32, #tpu.memory_space<hbm>>
        tpu.enqueue_dma source(%dma_start3A_351 : memref<128xi32, #tpu.memory_space<hbm>>) target(%arg10 : memref<128xi32, #tpu.memory_space<vmem>>) target_semaphore(%run_scoped3A : memref<!tpu.dma_semaphore, #tpu.memory_space<semaphore_mem>>)
        %dma_wait3A_352 = tpu.memref_slice %arg4[%add3A_61] : memref<331776xi32, #tpu.memory_space<hbm>> -> memref<128xi32, #tpu.memory_space<hbm>>
        %dma_wait3A_353 = tpu.memref_slice %arg4[%add3A_61] : memref<331776xi32, #tpu.memory_space<hbm>> -> memref<128xi32, #tpu.memory_space<hbm>>
        tpu.wait_dma2 semaphore(%run_scoped3A : memref<!tpu.dma_semaphore, #tpu.memory_space<semaphore_mem>>) src(%dma_wait3A_353 : memref<128xi32, #tpu.memory_space<hbm>>) dst(%arg10 : memref<128xi32, #tpu.memory_space<vmem>>)
        tpu.yield
      }) : () -> ()
      "tpu.region"() ({
        %run_scoped3A = tpu.sem_alloc : memref<!tpu.dma_semaphore, #tpu.memory_space<semaphore_mem>>
        %dma_start3A_350 = tpu.memref_slice %arg5[%add3A_61] : memref<331776xi32, #tpu.memory_space<hbm>> -> memref<128xi32, #tpu.memory_space<hbm>>
        %dma_start3A_351 = tpu.memref_slice %arg5[%add3A_61] : memref<331776xi32, #tpu.memory_space<hbm>> -> memref<128xi32, #tpu.memory_space<hbm>>
        tpu.enqueue_dma source(%dma_start3A_351 : memref<128xi32, #tpu.memory_space<hbm>>) target(%arg11 : memref<128xi32, #tpu.memory_space<vmem>>) target_semaphore(%run_scoped3A : memref<!tpu.dma_semaphore, #tpu.memory_space<semaphore_mem>>)
        %dma_wait3A_352 = tpu.memref_slice %arg5[%add3A_61] : memref<331776xi32, #tpu.memory_space<hbm>> -> memref<128xi32, #tpu.memory_space<hbm>>
        %dma_wait3A_353 = tpu.memref_slice %arg5[%add3A_61] : memref<331776xi32, #tpu.memory_space<hbm>> -> memref<128xi32, #tpu.memory_space<hbm>>
        tpu.wait_dma2 semaphore(%run_scoped3A : memref<!tpu.dma_semaphore, #tpu.memory_space<semaphore_mem>>) src(%dma_wait3A_353 : memref<128xi32, #tpu.memory_space<hbm>>) dst(%arg11 : memref<128xi32, #tpu.memory_space<vmem>>)
        tpu.yield
      }) : () -> ()
      "tpu.region"() ({
        %run_scoped3A = tpu.sem_alloc : memref<!tpu.dma_semaphore, #tpu.memory_space<semaphore_mem>>
        %dma_start3A_350 = tpu.memref_slice %arg6[%add3A_61] : memref<331792xi32, #tpu.memory_space<hbm>> -> memref<144xi32, #tpu.memory_space<hbm>>
        %dma_start3A_351 = tpu.memref_slice %arg6[%add3A_61] : memref<331792xi32, #tpu.memory_space<hbm>> -> memref<144xi32, #tpu.memory_space<hbm>>
        tpu.enqueue_dma source(%dma_start3A_351 : memref<144xi32, #tpu.memory_space<hbm>>) target(%arg12 : memref<144xi32, #tpu.memory_space<vmem>>) target_semaphore(%run_scoped3A : memref<!tpu.dma_semaphore, #tpu.memory_space<semaphore_mem>>)
        %dma_wait3A_352 = tpu.memref_slice %arg6[%add3A_61] : memref<331792xi32, #tpu.memory_space<hbm>> -> memref<144xi32, #tpu.memory_space<hbm>>
        %dma_wait3A_353 = tpu.memref_slice %arg6[%add3A_61] : memref<331792xi32, #tpu.memory_space<hbm>> -> memref<144xi32, #tpu.memory_space<hbm>>
        tpu.wait_dma2 semaphore(%run_scoped3A : memref<!tpu.dma_semaphore, #tpu.memory_space<semaphore_mem>>) src(%dma_wait3A_353 : memref<144xi32, #tpu.memory_space<hbm>>) dst(%arg12 : memref<144xi32, #tpu.memory_space<vmem>>)
        tpu.yield
      }) : () -> ()
      %dma_start3A = arith.constant 0 : i32
      %dma_start3A_62 = arith.constant 0 : i32
      %dma_start3A_63 = tpu.memref_slice %arg2[%dma_start3A, %dma_start3A_62] : memref<10240x128xf32, #tpu.memory_space<hbm>> -> memref<10240x128xf32, #tpu.memory_space<hbm>>
      tpu.enqueue_indirect_dma source(%dma_start3A_63 : memref<10240x128xf32, #tpu.memory_space<hbm>>) target(%arg15 : memref<128x128xf32, #tpu.memory_space<vmem>>) offsets(%arg10 : memref<128xi32, #tpu.memory_space<vmem>>) semaphore(%arg23 : memref<!tpu.dma_semaphore, #tpu.memory_space<semaphore_mem>>)
      %dma_start3A_64 = arith.constant 0 : i32
      %dma_start3A_65 = arith.constant 0 : i32
      %dma_start3A_66 = tpu.memref_slice %arg3[%dma_start3A_64, %dma_start3A_65] : memref<10240x128xf32, #tpu.memory_space<hbm>> -> memref<10240x128xf32, #tpu.memory_space<hbm>>
      tpu.enqueue_indirect_dma source(%dma_start3A_66 : memref<10240x128xf32, #tpu.memory_space<hbm>>) target(%arg16 : memref<128x128xf32, #tpu.memory_space<vmem>>) offsets(%arg11 : memref<128xi32, #tpu.memory_space<vmem>>) semaphore(%arg24 : memref<!tpu.dma_semaphore, #tpu.memory_space<semaphore_mem>>)
      %mul3A_67 = arith.constant 5120 : i32
      %mul3A_68 = arith.muli %arg0, %mul3A_67 : i32
      %mul3A_69 = arith.constant 640 : i32
      %mul3A_70 = arith.muli %arg0, %mul3A_69 : i32
      %get3A_71 = arith.constant 0 : index
      %get3A_72 = tpu.vector_load %arg11[%get3A_71] {strides = array<i32>} : memref<128xi32, #tpu.memory_space<vmem>>, vector<16xi32>,
      %sub3A = vector.broadcast %mul3A_68 : i32 to vector<16xi32>
      %sub3A_73 = arith.subi %get3A_72, %sub3A : vector<16xi32>
      %ge3A = arith.constant 0 : i32
      %ge3A_74 = vector.broadcast %ge3A : i32 to vector<16xi32>
      %ge3A_75 = arith.cmpi sge, %sub3A_73, %ge3A_74 : vector<16xi32>
      %lt3A = arith.constant 5120 : i32
      %lt3A_76 = vector.broadcast %lt3A : i32 to vector<16xi32>
      %lt3A_77 = arith.cmpi slt, %sub3A_73, %lt3A_76 : vector<16xi32>
      %and3A = arith.andi %ge3A_75, %lt3A_77 : vector<16xi1>
      %jit3A = arith.constant 5120 : i32
      %broadcast_in_dim3A_78 = vector.broadcast %jit3A : i32 to vector<16xi32>
      %select_n3A = arith.select %and3A, %sub3A_73, %broadcast_in_dim3A_78 : vector<16xi1>, vector<16xi32>
      %swap3A = arith.constant 0 : index
      %swap3A_79 = tpu.vector_load %arg13[%swap3A] {strides = array<i32>} : memref<128xi32, #tpu.memory_space<vmem>>, vector<16xi32>,
      tpu.vector_store %arg13[%swap3A], %select_n3A {strides = array<i32>} : memref<128xi32, #tpu.memory_space<vmem>>, vector<16xi32>,
      %shift_right_logical3A = arith.constant 3 : i32
      %shift_right_logical3A_80 = vector.broadcast %shift_right_logical3A : i32 to vector<16xi32>
      %shift_right_logical3A_81 = arith.shrui %get3A_72, %shift_right_logical3A_80 : vector<16xi32>
      %sub3A_82 = vector.broadcast %mul3A_70 : i32 to vector<16xi32>
      %sub3A_83 = arith.subi %shift_right_logical3A_81, %sub3A_82 : vector<16xi32>
      %ge3A_84 = arith.constant 0 : i32
      %ge3A_85 = vector.broadcast %ge3A_84 : i32 to vector<16xi32>
      %ge3A_86 = arith.cmpi sge, %sub3A_83, %ge3A_85 : vector<16xi32>
      %lt3A_87 = arith.constant 640 : i32
      %lt3A_88 = vector.broadcast %lt3A_87 : i32 to vector<16xi32>
      %lt3A_89 = arith.cmpi slt, %sub3A_83, %lt3A_88 : vector<16xi32>
      %and3A_90 = arith.andi %ge3A_86, %lt3A_89 : vector<16xi1>
      %jit3A_91 = arith.constant 640 : i32
      %broadcast_in_dim3A_92 = vector.broadcast %jit3A_91 : i32 to vector<16xi32>
      %select_n3A_93 = arith.select %and3A_90, %sub3A_83, %broadcast_in_dim3A_92 : vector<16xi1>, vector<16xi32>
      %swap3A_94 = arith.constant 0 : index
      %swap3A_95 = tpu.vector_load %arg14[%swap3A_94] {strides = array<i32>} : memref<128xi32, #tpu.memory_space<vmem>>, vector<16xi32>,
      tpu.vector_store %arg14[%swap3A_94], %select_n3A_93 {strides = array<i32>} : memref<128xi32, #tpu.memory_space<vmem>>, vector<16xi32>,
      %get3A_96 = arith.constant 16 : index
      %get3A_97 = tpu.vector_load %arg11[%get3A_96] {strides = array<i32>} : memref<128xi32, #tpu.memory_space<vmem>>, vector<16xi32>,
      %sub3A_98 = vector.broadcast %mul3A_68 : i32 to vector<16xi32>
      %sub3A_99 = arith.subi %get3A_97, %sub3A_98 : vector<16xi32>
      %ge3A_100 = arith.constant 0 : i32
      %ge3A_101 = vector.broadcast %ge3A_100 : i32 to vector<16xi32>
      %ge3A_102 = arith.cmpi sge, %sub3A_99, %ge3A_101 : vector<16xi32>
      %lt3A_103 = arith.constant 5120 : i32
      %lt3A_104 = vector.broadcast %lt3A_103 : i32 to vector<16xi32>
      %lt3A_105 = arith.cmpi slt, %sub3A_99, %lt3A_104 : vector<16xi32>
      %and3A_106 = arith.andi %ge3A_102, %lt3A_105 : vector<16xi1>
      %jit3A_107 = arith.constant 5120 : i32
      %broadcast_in_dim3A_108 = vector.broadcast %jit3A_107 : i32 to vector<16xi32>
      %select_n3A_109 = arith.select %and3A_106, %sub3A_99, %broadcast_in_dim3A_108 : vector<16xi1>, vector<16xi32>
      %swap3A_110 = arith.constant 16 : index
      %swap3A_111 = tpu.vector_load %arg13[%swap3A_110] {strides = array<i32>} : memref<128xi32, #tpu.memory_space<vmem>>, vector<16xi32>,
      tpu.vector_store %arg13[%swap3A_110], %select_n3A_109 {strides = array<i32>} : memref<128xi32, #tpu.memory_space<vmem>>, vector<16xi32>,
      %shift_right_logical3A_112 = arith.constant 3 : i32
      %shift_right_logical3A_113 = vector.broadcast %shift_right_logical3A_112 : i32 to vector<16xi32>
      %shift_right_logical3A_114 = arith.shrui %get3A_97, %shift_right_logical3A_113 : vector<16xi32>
      %sub3A_115 = vector.broadcast %mul3A_70 : i32 to vector<16xi32>
      %sub3A_116 = arith.subi %shift_right_logical3A_114, %sub3A_115 : vector<16xi32>
      %ge3A_117 = arith.constant 0 : i32
      %ge3A_118 = vector.broadcast %ge3A_117 : i32 to vector<16xi32>
      %ge3A_119 = arith.cmpi sge, %sub3A_116, %ge3A_118 : vector<16xi32>
      %lt3A_120 = arith.constant 640 : i32
      %lt3A_121 = vector.broadcast %lt3A_120 : i32 to vector<16xi32>
      %lt3A_122 = arith.cmpi slt, %sub3A_116, %lt3A_121 : vector<16xi32>
      %and3A_123 = arith.andi %ge3A_119, %lt3A_122 : vector<16xi1>
      %jit3A_124 = arith.constant 640 : i32
      %broadcast_in_dim3A_125 = vector.broadcast %jit3A_124 : i32 to vector<16xi32>
      %select_n3A_126 = arith.select %and3A_123, %sub3A_116, %broadcast_in_dim3A_125 : vector<16xi1>, vector<16xi32>
      %swap3A_127 = arith.constant 16 : index
      %swap3A_128 = tpu.vector_load %arg14[%swap3A_127] {strides = array<i32>} : memref<128xi32, #tpu.memory_space<vmem>>, vector<16xi32>,
      tpu.vector_store %arg14[%swap3A_127], %select_n3A_126 {strides = array<i32>} : memref<128xi32, #tpu.memory_space<vmem>>, vector<16xi32>,
      %get3A_129 = arith.constant 32 : index
      %get3A_130 = tpu.vector_load %arg11[%get3A_129] {strides = array<i32>} : memref<128xi32, #tpu.memory_space<vmem>>, vector<16xi32>,
      %sub3A_131 = vector.broadcast %mul3A_68 : i32 to vector<16xi32>
      %sub3A_132 = arith.subi %get3A_130, %sub3A_131 : vector<16xi32>
      %ge3A_133 = arith.constant 0 : i32
      %ge3A_134 = vector.broadcast %ge3A_133 : i32 to vector<16xi32>
      %ge3A_135 = arith.cmpi sge, %sub3A_132, %ge3A_134 : vector<16xi32>
      %lt3A_136 = arith.constant 5120 : i32
      %lt3A_137 = vector.broadcast %lt3A_136 : i32 to vector<16xi32>
      %lt3A_138 = arith.cmpi slt, %sub3A_132, %lt3A_137 : vector<16xi32>
      %and3A_139 = arith.andi %ge3A_135, %lt3A_138 : vector<16xi1>
      %jit3A_140 = arith.constant 5120 : i32
      %broadcast_in_dim3A_141 = vector.broadcast %jit3A_140 : i32 to vector<16xi32>
      %select_n3A_142 = arith.select %and3A_139, %sub3A_132, %broadcast_in_dim3A_141 : vector<16xi1>, vector<16xi32>
      %swap3A_143 = arith.constant 32 : index
      %swap3A_144 = tpu.vector_load %arg13[%swap3A_143] {strides = array<i32>} : memref<128xi32, #tpu.memory_space<vmem>>, vector<16xi32>,
      tpu.vector_store %arg13[%swap3A_143], %select_n3A_142 {strides = array<i32>} : memref<128xi32, #tpu.memory_space<vmem>>, vector<16xi32>,
      %shift_right_logical3A_145 = arith.constant 3 : i32
      %shift_right_logical3A_146 = vector.broadcast %shift_right_logical3A_145 : i32 to vector<16xi32>
      %shift_right_logical3A_147 = arith.shrui %get3A_130, %shift_right_logical3A_146 : vector<16xi32>
      %sub3A_148 = vector.broadcast %mul3A_70 : i32 to vector<16xi32>
      %sub3A_149 = arith.subi %shift_right_logical3A_147, %sub3A_148 : vector<16xi32>
      %ge3A_150 = arith.constant 0 : i32
      %ge3A_151 = vector.broadcast %ge3A_150 : i32 to vector<16xi32>
      %ge3A_152 = arith.cmpi sge, %sub3A_149, %ge3A_151 : vector<16xi32>
      %lt3A_153 = arith.constant 640 : i32
      %lt3A_154 = vector.broadcast %lt3A_153 : i32 to vector<16xi32>
      %lt3A_155 = arith.cmpi slt, %sub3A_149, %lt3A_154 : vector<16xi32>
      %and3A_156 = arith.andi %ge3A_152, %lt3A_155 : vector<16xi1>
      %jit3A_157 = arith.constant 640 : i32
      %broadcast_in_dim3A_158 = vector.broadcast %jit3A_157 : i32 to vector<16xi32>
      %select_n3A_159 = arith.select %and3A_156, %sub3A_149, %broadcast_in_dim3A_158 : vector<16xi1>, vector<16xi32>
      %swap3A_160 = arith.constant 32 : index
      %swap3A_161 = tpu.vector_load %arg14[%swap3A_160] {strides = array<i32>} : memref<128xi32, #tpu.memory_space<vmem>>, vector<16xi32>,
      tpu.vector_store %arg14[%swap3A_160], %select_n3A_159 {strides = array<i32>} : memref<128xi32, #tpu.memory_space<vmem>>, vector<16xi32>,
      %get3A_162 = arith.constant 48 : index
      %get3A_163 = tpu.vector_load %arg11[%get3A_162] {strides = array<i32>} : memref<128xi32, #tpu.memory_space<vmem>>, vector<16xi32>,
      %sub3A_164 = vector.broadcast %mul3A_68 : i32 to vector<16xi32>
      %sub3A_165 = arith.subi %get3A_163, %sub3A_164 : vector<16xi32>
      %ge3A_166 = arith.constant 0 : i32
      %ge3A_167 = vector.broadcast %ge3A_166 : i32 to vector<16xi32>
      %ge3A_168 = arith.cmpi sge, %sub3A_165, %ge3A_167 : vector<16xi32>
      %lt3A_169 = arith.constant 5120 : i32
      %lt3A_170 = vector.broadcast %lt3A_169 : i32 to vector<16xi32>
      %lt3A_171 = arith.cmpi slt, %sub3A_165, %lt3A_170 : vector<16xi32>
      %and3A_172 = arith.andi %ge3A_168, %lt3A_171 : vector<16xi1>
      %jit3A_173 = arith.constant 5120 : i32
      %broadcast_in_dim3A_174 = vector.broadcast %jit3A_173 : i32 to vector<16xi32>
      %select_n3A_175 = arith.select %and3A_172, %sub3A_165, %broadcast_in_dim3A_174 : vector<16xi1>, vector<16xi32>
      %swap3A_176 = arith.constant 48 : index
      %swap3A_177 = tpu.vector_load %arg13[%swap3A_176] {strides = array<i32>} : memref<128xi32, #tpu.memory_space<vmem>>, vector<16xi32>,
      tpu.vector_store %arg13[%swap3A_176], %select_n3A_175 {strides = array<i32>} : memref<128xi32, #tpu.memory_space<vmem>>, vector<16xi32>,
      %shift_right_logical3A_178 = arith.constant 3 : i32
      %shift_right_logical3A_179 = vector.broadcast %shift_right_logical3A_178 : i32 to vector<16xi32>
      %shift_right_logical3A_180 = arith.shrui %get3A_163, %shift_right_logical3A_179 : vector<16xi32>
      %sub3A_181 = vector.broadcast %mul3A_70 : i32 to vector<16xi32>
      %sub3A_182 = arith.subi %shift_right_logical3A_180, %sub3A_181 : vector<16xi32>
      %ge3A_183 = arith.constant 0 : i32
      %ge3A_184 = vector.broadcast %ge3A_183 : i32 to vector<16xi32>
      %ge3A_185 = arith.cmpi sge, %sub3A_182, %ge3A_184 : vector<16xi32>
      %lt3A_186 = arith.constant 640 : i32
      %lt3A_187 = vector.broadcast %lt3A_186 : i32 to vector<16xi32>
      %lt3A_188 = arith.cmpi slt, %sub3A_182, %lt3A_187 : vector<16xi32>
      %and3A_189 = arith.andi %ge3A_185, %lt3A_188 : vector<16xi1>
      %jit3A_190 = arith.constant 640 : i32
      %broadcast_in_dim3A_191 = vector.broadcast %jit3A_190 : i32 to vector<16xi32>
      %select_n3A_192 = arith.select %and3A_189, %sub3A_182, %broadcast_in_dim3A_191 : vector<16xi1>, vector<16xi32>
      %swap3A_193 = arith.constant 48 : index
      %swap3A_194 = tpu.vector_load %arg14[%swap3A_193] {strides = array<i32>} : memref<128xi32, #tpu.memory_space<vmem>>, vector<16xi32>,
      tpu.vector_store %arg14[%swap3A_193], %select_n3A_192 {strides = array<i32>} : memref<128xi32, #tpu.memory_space<vmem>>, vector<16xi32>,
      %get3A_195 = arith.constant 64 : index
      %get3A_196 = tpu.vector_load %arg11[%get3A_195] {strides = array<i32>} : memref<128xi32, #tpu.memory_space<vmem>>, vector<16xi32>,
      %sub3A_197 = vector.broadcast %mul3A_68 : i32 to vector<16xi32>
      %sub3A_198 = arith.subi %get3A_196, %sub3A_197 : vector<16xi32>
      %ge3A_199 = arith.constant 0 : i32
      %ge3A_200 = vector.broadcast %ge3A_199 : i32 to vector<16xi32>
      %ge3A_201 = arith.cmpi sge, %sub3A_198, %ge3A_200 : vector<16xi32>
      %lt3A_202 = arith.constant 5120 : i32
      %lt3A_203 = vector.broadcast %lt3A_202 : i32 to vector<16xi32>
      %lt3A_204 = arith.cmpi slt, %sub3A_198, %lt3A_203 : vector<16xi32>
      %and3A_205 = arith.andi %ge3A_201, %lt3A_204 : vector<16xi1>
      %jit3A_206 = arith.constant 5120 : i32
      %broadcast_in_dim3A_207 = vector.broadcast %jit3A_206 : i32 to vector<16xi32>
      %select_n3A_208 = arith.select %and3A_205, %sub3A_198, %broadcast_in_dim3A_207 : vector<16xi1>, vector<16xi32>
      %swap3A_209 = arith.constant 64 : index
      %swap3A_210 = tpu.vector_load %arg13[%swap3A_209] {strides = array<i32>} : memref<128xi32, #tpu.memory_space<vmem>>, vector<16xi32>,
      tpu.vector_store %arg13[%swap3A_209], %select_n3A_208 {strides = array<i32>} : memref<128xi32, #tpu.memory_space<vmem>>, vector<16xi32>,
      %shift_right_logical3A_211 = arith.constant 3 : i32
      %shift_right_logical3A_212 = vector.broadcast %shift_right_logical3A_211 : i32 to vector<16xi32>
      %shift_right_logical3A_213 = arith.shrui %get3A_196, %shift_right_logical3A_212 : vector<16xi32>
      %sub3A_214 = vector.broadcast %mul3A_70 : i32 to vector<16xi32>
      %sub3A_215 = arith.subi %shift_right_logical3A_213, %sub3A_214 : vector<16xi32>
      %ge3A_216 = arith.constant 0 : i32
      %ge3A_217 = vector.broadcast %ge3A_216 : i32 to vector<16xi32>
      %ge3A_218 = arith.cmpi sge, %sub3A_215, %ge3A_217 : vector<16xi32>
      %lt3A_219 = arith.constant 640 : i32
      %lt3A_220 = vector.broadcast %lt3A_219 : i32 to vector<16xi32>
      %lt3A_221 = arith.cmpi slt, %sub3A_215, %lt3A_220 : vector<16xi32>
      %and3A_222 = arith.andi %ge3A_218, %lt3A_221 : vector<16xi1>
      %jit3A_223 = arith.constant 640 : i32
      %broadcast_in_dim3A_224 = vector.broadcast %jit3A_223 : i32 to vector<16xi32>
      %select_n3A_225 = arith.select %and3A_222, %sub3A_215, %broadcast_in_dim3A_224 : vector<16xi1>, vector<16xi32>
      %swap3A_226 = arith.constant 64 : index
      %swap3A_227 = tpu.vector_load %arg14[%swap3A_226] {strides = array<i32>} : memref<128xi32, #tpu.memory_space<vmem>>, vector<16xi32>,
      tpu.vector_store %arg14[%swap3A_226], %select_n3A_225 {strides = array<i32>} : memref<128xi32, #tpu.memory_space<vmem>>, vector<16xi32>,
      %get3A_228 = arith.constant 80 : index
      %get3A_229 = tpu.vector_load %arg11[%get3A_228] {strides = array<i32>} : memref<128xi32, #tpu.memory_space<vmem>>, vector<16xi32>,
      %sub3A_230 = vector.broadcast %mul3A_68 : i32 to vector<16xi32>
      %sub3A_231 = arith.subi %get3A_229, %sub3A_230 : vector<16xi32>
      %ge3A_232 = arith.constant 0 : i32
      %ge3A_233 = vector.broadcast %ge3A_232 : i32 to vector<16xi32>
      %ge3A_234 = arith.cmpi sge, %sub3A_231, %ge3A_233 : vector<16xi32>
      %lt3A_235 = arith.constant 5120 : i32
      %lt3A_236 = vector.broadcast %lt3A_235 : i32 to vector<16xi32>
      %lt3A_237 = arith.cmpi slt, %sub3A_231, %lt3A_236 : vector<16xi32>
      %and3A_238 = arith.andi %ge3A_234, %lt3A_237 : vector<16xi1>
      %jit3A_239 = arith.constant 5120 : i32
      %broadcast_in_dim3A_240 = vector.broadcast %jit3A_239 : i32 to vector<16xi32>
      %select_n3A_241 = arith.select %and3A_238, %sub3A_231, %broadcast_in_dim3A_240 : vector<16xi1>, vector<16xi32>
      %swap3A_242 = arith.constant 80 : index
      %swap3A_243 = tpu.vector_load %arg13[%swap3A_242] {strides = array<i32>} : memref<128xi32, #tpu.memory_space<vmem>>, vector<16xi32>,
      tpu.vector_store %arg13[%swap3A_242], %select_n3A_241 {strides = array<i32>} : memref<128xi32, #tpu.memory_space<vmem>>, vector<16xi32>,
      %shift_right_logical3A_244 = arith.constant 3 : i32
      %shift_right_logical3A_245 = vector.broadcast %shift_right_logical3A_244 : i32 to vector<16xi32>
      %shift_right_logical3A_246 = arith.shrui %get3A_229, %shift_right_logical3A_245 : vector<16xi32>
      %sub3A_247 = vector.broadcast %mul3A_70 : i32 to vector<16xi32>
      %sub3A_248 = arith.subi %shift_right_logical3A_246, %sub3A_247 : vector<16xi32>
      %ge3A_249 = arith.constant 0 : i32
      %ge3A_250 = vector.broadcast %ge3A_249 : i32 to vector<16xi32>
      %ge3A_251 = arith.cmpi sge, %sub3A_248, %ge3A_250 : vector<16xi32>
      %lt3A_252 = arith.constant 640 : i32
      %lt3A_253 = vector.broadcast %lt3A_252 : i32 to vector<16xi32>
      %lt3A_254 = arith.cmpi slt, %sub3A_248, %lt3A_253 : vector<16xi32>
      %and3A_255 = arith.andi %ge3A_251, %lt3A_254 : vector<16xi1>
      %jit3A_256 = arith.constant 640 : i32
      %broadcast_in_dim3A_257 = vector.broadcast %jit3A_256 : i32 to vector<16xi32>
      %select_n3A_258 = arith.select %and3A_255, %sub3A_248, %broadcast_in_dim3A_257 : vector<16xi1>, vector<16xi32>
      %swap3A_259 = arith.constant 80 : index
      %swap3A_260 = tpu.vector_load %arg14[%swap3A_259] {strides = array<i32>} : memref<128xi32, #tpu.memory_space<vmem>>, vector<16xi32>,
      tpu.vector_store %arg14[%swap3A_259], %select_n3A_258 {strides = array<i32>} : memref<128xi32, #tpu.memory_space<vmem>>, vector<16xi32>,
      %get3A_261 = arith.constant 96 : index
      %get3A_262 = tpu.vector_load %arg11[%get3A_261] {strides = array<i32>} : memref<128xi32, #tpu.memory_space<vmem>>, vector<16xi32>,
      %sub3A_263 = vector.broadcast %mul3A_68 : i32 to vector<16xi32>
      %sub3A_264 = arith.subi %get3A_262, %sub3A_263 : vector<16xi32>
      %ge3A_265 = arith.constant 0 : i32
      %ge3A_266 = vector.broadcast %ge3A_265 : i32 to vector<16xi32>
      %ge3A_267 = arith.cmpi sge, %sub3A_264, %ge3A_266 : vector<16xi32>
      %lt3A_268 = arith.constant 5120 : i32
      %lt3A_269 = vector.broadcast %lt3A_268 : i32 to vector<16xi32>
      %lt3A_270 = arith.cmpi slt, %sub3A_264, %lt3A_269 : vector<16xi32>
      %and3A_271 = arith.andi %ge3A_267, %lt3A_270 : vector<16xi1>
      %jit3A_272 = arith.constant 5120 : i32
      %broadcast_in_dim3A_273 = vector.broadcast %jit3A_272 : i32 to vector<16xi32>
      %select_n3A_274 = arith.select %and3A_271, %sub3A_264, %broadcast_in_dim3A_273 : vector<16xi1>, vector<16xi32>
      %swap3A_275 = arith.constant 96 : index
      %swap3A_276 = tpu.vector_load %arg13[%swap3A_275] {strides = array<i32>} : memref<128xi32, #tpu.memory_space<vmem>>, vector<16xi32>,
      tpu.vector_store %arg13[%swap3A_275], %select_n3A_274 {strides = array<i32>} : memref<128xi32, #tpu.memory_space<vmem>>, vector<16xi32>,
      %shift_right_logical3A_277 = arith.constant 3 : i32
      %shift_right_logical3A_278 = vector.broadcast %shift_right_logical3A_277 : i32 to vector<16xi32>
      %shift_right_logical3A_279 = arith.shrui %get3A_262, %shift_right_logical3A_278 : vector<16xi32>
      %sub3A_280 = vector.broadcast %mul3A_70 : i32 to vector<16xi32>
      %sub3A_281 = arith.subi %shift_right_logical3A_279, %sub3A_280 : vector<16xi32>
      %ge3A_282 = arith.constant 0 : i32
      %ge3A_283 = vector.broadcast %ge3A_282 : i32 to vector<16xi32>
      %ge3A_284 = arith.cmpi sge, %sub3A_281, %ge3A_283 : vector<16xi32>
      %lt3A_285 = arith.constant 640 : i32
      %lt3A_286 = vector.broadcast %lt3A_285 : i32 to vector<16xi32>
      %lt3A_287 = arith.cmpi slt, %sub3A_281, %lt3A_286 : vector<16xi32>
      %and3A_288 = arith.andi %ge3A_284, %lt3A_287 : vector<16xi1>
      %jit3A_289 = arith.constant 640 : i32
      %broadcast_in_dim3A_290 = vector.broadcast %jit3A_289 : i32 to vector<16xi32>
      %select_n3A_291 = arith.select %and3A_288, %sub3A_281, %broadcast_in_dim3A_290 : vector<16xi1>, vector<16xi32>
      %swap3A_292 = arith.constant 96 : index
      %swap3A_293 = tpu.vector_load %arg14[%swap3A_292] {strides = array<i32>} : memref<128xi32, #tpu.memory_space<vmem>>, vector<16xi32>,
      tpu.vector_store %arg14[%swap3A_292], %select_n3A_291 {strides = array<i32>} : memref<128xi32, #tpu.memory_space<vmem>>, vector<16xi32>,
      %get3A_294 = arith.constant 112 : index
      %get3A_295 = tpu.vector_load %arg11[%get3A_294] {strides = array<i32>} : memref<128xi32, #tpu.memory_space<vmem>>, vector<16xi32>,
      %sub3A_296 = vector.broadcast %mul3A_68 : i32 to vector<16xi32>
      %sub3A_297 = arith.subi %get3A_295, %sub3A_296 : vector<16xi32>
      %ge3A_298 = arith.constant 0 : i32
      %ge3A_299 = vector.broadcast %ge3A_298 : i32 to vector<16xi32>
      %ge3A_300 = arith.cmpi sge, %sub3A_297, %ge3A_299 : vector<16xi32>
      %lt3A_301 = arith.constant 5120 : i32
      %lt3A_302 = vector.broadcast %lt3A_301 : i32 to vector<16xi32>
      %lt3A_303 = arith.cmpi slt, %sub3A_297, %lt3A_302 : vector<16xi32>
      %and3A_304 = arith.andi %ge3A_300, %lt3A_303 : vector<16xi1>
      %jit3A_305 = arith.constant 5120 : i32
      %broadcast_in_dim3A_306 = vector.broadcast %jit3A_305 : i32 to vector<16xi32>
      %select_n3A_307 = arith.select %and3A_304, %sub3A_297, %broadcast_in_dim3A_306 : vector<16xi1>, vector<16xi32>
      %swap3A_308 = arith.constant 112 : index
      %swap3A_309 = tpu.vector_load %arg13[%swap3A_308] {strides = array<i32>} : memref<128xi32, #tpu.memory_space<vmem>>, vector<16xi32>,
      tpu.vector_store %arg13[%swap3A_308], %select_n3A_307 {strides = array<i32>} : memref<128xi32, #tpu.memory_space<vmem>>, vector<16xi32>,
      %shift_right_logical3A_310 = arith.constant 3 : i32
      %shift_right_logical3A_311 = vector.broadcast %shift_right_logical3A_310 : i32 to vector<16xi32>
      %shift_right_logical3A_312 = arith.shrui %get3A_295, %shift_right_logical3A_311 : vector<16xi32>
      %sub3A_313 = vector.broadcast %mul3A_70 : i32 to vector<16xi32>
      %sub3A_314 = arith.subi %shift_right_logical3A_312, %sub3A_313 : vector<16xi32>
      %ge3A_315 = arith.constant 0 : i32
      %ge3A_316 = vector.broadcast %ge3A_315 : i32 to vector<16xi32>
      %ge3A_317 = arith.cmpi sge, %sub3A_314, %ge3A_316 : vector<16xi32>
      %lt3A_318 = arith.constant 640 : i32
      %lt3A_319 = vector.broadcast %lt3A_318 : i32 to vector<16xi32>
      %lt3A_320 = arith.cmpi slt, %sub3A_314, %lt3A_319 : vector<16xi32>
      %and3A_321 = arith.andi %ge3A_317, %lt3A_320 : vector<16xi1>
      %jit3A_322 = arith.constant 640 : i32
      %broadcast_in_dim3A_323 = vector.broadcast %jit3A_322 : i32 to vector<16xi32>
      %select_n3A_324 = arith.select %and3A_321, %sub3A_314, %broadcast_in_dim3A_323 : vector<16xi1>, vector<16xi32>
      %swap3A_325 = arith.constant 112 : index
      %swap3A_326 = tpu.vector_load %arg14[%swap3A_325] {strides = array<i32>} : memref<128xi32, #tpu.memory_space<vmem>>, vector<16xi32>,
      tpu.vector_store %arg14[%swap3A_325], %select_n3A_324 {strides = array<i32>} : memref<128xi32, #tpu.memory_space<vmem>>, vector<16xi32>,
      %dma_wait3A = arith.constant 0 : i32
      %dma_wait3A_327 = arith.constant 0 : i32
      %dma_wait3A_328 = tpu.memref_slice %arg2[%dma_wait3A, %dma_wait3A_327] : memref<10240x128xf32, #tpu.memory_space<hbm>> -> memref<10240x128xf32, #tpu.memory_space<hbm>>
      tpu.wait_indirect_dma semaphore(%arg23 : memref<!tpu.dma_semaphore, #tpu.memory_space<semaphore_mem>>) src(%dma_wait3A_328 : memref<10240x128xf32, #tpu.memory_space<hbm>>) dst(%arg15 : memref<128x128xf32, #tpu.memory_space<vmem>>)
      %dma_wait3A_329 = arith.constant 0 : i32
      %dma_wait3A_330 = arith.constant 0 : i32
      %dma_wait3A_331 = tpu.memref_slice %arg3[%dma_wait3A_329, %dma_wait3A_330] : memref<10240x128xf32, #tpu.memory_space<hbm>> -> memref<10240x128xf32, #tpu.memory_space<hbm>>
      tpu.wait_indirect_dma semaphore(%arg24 : memref<!tpu.dma_semaphore, #tpu.memory_space<semaphore_mem>>) src(%dma_wait3A_331 : memref<10240x128xf32, #tpu.memory_space<hbm>>) dst(%arg16 : memref<128x128xf32, #tpu.memory_space<vmem>>)
      %scan3A_332 = arith.constant 0 : i32
      %scan3A_333 = arith.constant 0 : i32
      %scan3A_334 = arith.constant 128 : i32
      %scan3A_335 = arith.addi %scan3A_333, %scan3A_334 : i32
      %scan3A_336 = arith.constant 4 : i32
      scf.for %scan3A_350 = %scan3A_333 to %scan3A_335 step %scan3A_336  : i32 {
        %broadcast_in_dim3A_351 = arith.constant 0.000000e+00 : f32
        %broadcast_in_dim3A_352 = vector.broadcast %broadcast_in_dim3A_351 : f32 to vector<16xf32>
        %get3A_353 = arith.index_cast %scan3A_350 : i32 to index
        %get3A_354 = arith.constant 0 : index
        %get3A_355 = tpu.vector_load %arg15[%get3A_353, %get3A_354] {strides = array<i32>} : memref<128x128xf32, #tpu.memory_space<vmem>>, vector<16xf32>,
        %get3A_356 = arith.index_cast %scan3A_350 : i32 to index
        %get3A_357 = arith.constant 0 : index
        %get3A_358 = tpu.vector_load %arg16[%get3A_356, %get3A_357] {strides = array<i32>} : memref<128x128xf32, #tpu.memory_space<vmem>>, vector<16xf32>,
        %add3A_359 = arith.addf %get3A_355, %get3A_358 : vector<16xf32>
        %mul3A_360 = arith.constant 2.000000e-01 : f32
        %mul3A_361 = vector.broadcast %mul3A_360 : f32 to vector<16xf32>
        %mul3A_362 = arith.mulf %mul3A_361, %add3A_359 : vector<16xf32>
        %max3A = arith.maximumf %add3A_359, %mul3A_362 : vector<16xf32>
        %mul3A_363 = arith.mulf %get3A_20, %max3A : vector<16xf32>
        %add3A_364 = arith.addf %broadcast_in_dim3A_352, %mul3A_363 : vector<16xf32>
        %get3A_365 = arith.index_cast %scan3A_350 : i32 to index
        %get3A_366 = arith.constant 16 : index
        %get3A_367 = tpu.vector_load %arg15[%get3A_365, %get3A_366] {strides = array<i32>} : memref<128x128xf32, #tpu.memory_space<vmem>>, vector<16xf32>,
        %get3A_368 = arith.index_cast %scan3A_350 : i32 to index
        %get3A_369 = arith.constant 16 : index
        %get3A_370 = tpu.vector_load %arg16[%get3A_368, %get3A_369] {strides = array<i32>} : memref<128x128xf32, #tpu.memory_space<vmem>>, vector<16xf32>,
        %add3A_371 = arith.addf %get3A_367, %get3A_370 : vector<16xf32>
        %mul3A_372 = arith.constant 2.000000e-01 : f32
        %mul3A_373 = vector.broadcast %mul3A_372 : f32 to vector<16xf32>
        %mul3A_374 = arith.mulf %mul3A_373, %add3A_371 : vector<16xf32>
        %max3A_375 = arith.maximumf %add3A_371, %mul3A_374 : vector<16xf32>
        %mul3A_376 = arith.mulf %get3A_22, %max3A_375 : vector<16xf32>
        %add3A_377 = arith.addf %add3A_364, %mul3A_376 : vector<16xf32>
        %get3A_378 = arith.index_cast %scan3A_350 : i32 to index
        %get3A_379 = arith.constant 32 : index
        %get3A_380 = tpu.vector_load %arg15[%get3A_378, %get3A_379] {strides = array<i32>} : memref<128x128xf32, #tpu.memory_space<vmem>>, vector<16xf32>,
        %get3A_381 = arith.index_cast %scan3A_350 : i32 to index
        %get3A_382 = arith.constant 32 : index
        %get3A_383 = tpu.vector_load %arg16[%get3A_381, %get3A_382] {strides = array<i32>} : memref<128x128xf32, #tpu.memory_space<vmem>>, vector<16xf32>,
        %add3A_384 = arith.addf %get3A_380, %get3A_383 : vector<16xf32>
        %mul3A_385 = arith.constant 2.000000e-01 : f32
        %mul3A_386 = vector.broadcast %mul3A_385 : f32 to vector<16xf32>
        %mul3A_387 = arith.mulf %mul3A_386, %add3A_384 : vector<16xf32>
        %max3A_388 = arith.maximumf %add3A_384, %mul3A_387 : vector<16xf32>
        %mul3A_389 = arith.mulf %get3A_24, %max3A_388 : vector<16xf32>
        %add3A_390 = arith.addf %add3A_377, %mul3A_389 : vector<16xf32>
        %get3A_391 = arith.index_cast %scan3A_350 : i32 to index
        %get3A_392 = arith.constant 48 : index
        %get3A_393 = tpu.vector_load %arg15[%get3A_391, %get3A_392] {strides = array<i32>} : memref<128x128xf32, #tpu.memory_space<vmem>>, vector<16xf32>,
        %get3A_394 = arith.index_cast %scan3A_350 : i32 to index
        %get3A_395 = arith.constant 48 : index
        %get3A_396 = tpu.vector_load %arg16[%get3A_394, %get3A_395] {strides = array<i32>} : memref<128x128xf32, #tpu.memory_space<vmem>>, vector<16xf32>,
        %add3A_397 = arith.addf %get3A_393, %get3A_396 : vector<16xf32>
        %mul3A_398 = arith.constant 2.000000e-01 : f32
        %mul3A_399 = vector.broadcast %mul3A_398 : f32 to vector<16xf32>
        %mul3A_400 = arith.mulf %mul3A_399, %add3A_397 : vector<16xf32>
        %max3A_401 = arith.maximumf %add3A_397, %mul3A_400 : vector<16xf32>
        %mul3A_402 = arith.mulf %get3A_26, %max3A_401 : vector<16xf32>
        %add3A_403 = arith.addf %add3A_390, %mul3A_402 : vector<16xf32>
        %get3A_404 = arith.index_cast %scan3A_350 : i32 to index
        %get3A_405 = arith.constant 64 : index
        %get3A_406 = tpu.vector_load %arg15[%get3A_404, %get3A_405] {strides = array<i32>} : memref<128x128xf32, #tpu.memory_space<vmem>>, vector<16xf32>,
        %get3A_407 = arith.index_cast %scan3A_350 : i32 to index
        %get3A_408 = arith.constant 64 : index
        %get3A_409 = tpu.vector_load %arg16[%get3A_407, %get3A_408] {strides = array<i32>} : memref<128x128xf32, #tpu.memory_space<vmem>>, vector<16xf32>,
        %add3A_410 = arith.addf %get3A_406, %get3A_409 : vector<16xf32>
        %mul3A_411 = arith.constant 2.000000e-01 : f32
        %mul3A_412 = vector.broadcast %mul3A_411 : f32 to vector<16xf32>
        %mul3A_413 = arith.mulf %mul3A_412, %add3A_410 : vector<16xf32>
        %max3A_414 = arith.maximumf %add3A_410, %mul3A_413 : vector<16xf32>
        %mul3A_415 = arith.mulf %get3A_28, %max3A_414 : vector<16xf32>
        %add3A_416 = arith.addf %add3A_403, %mul3A_415 : vector<16xf32>
        %get3A_417 = arith.index_cast %scan3A_350 : i32 to index
        %get3A_418 = arith.constant 80 : index
        %get3A_419 = tpu.vector_load %arg15[%get3A_417, %get3A_418] {strides = array<i32>} : memref<128x128xf32, #tpu.memory_space<vmem>>, vector<16xf32>,
        %get3A_420 = arith.index_cast %scan3A_350 : i32 to index
        %get3A_421 = arith.constant 80 : index
        %get3A_422 = tpu.vector_load %arg16[%get3A_420, %get3A_421] {strides = array<i32>} : memref<128x128xf32, #tpu.memory_space<vmem>>, vector<16xf32>,
        %add3A_423 = arith.addf %get3A_419, %get3A_422 : vector<16xf32>
        %mul3A_424 = arith.constant 2.000000e-01 : f32
        %mul3A_425 = vector.broadcast %mul3A_424 : f32 to vector<16xf32>
        %mul3A_426 = arith.mulf %mul3A_425, %add3A_423 : vector<16xf32>
        %max3A_427 = arith.maximumf %add3A_423, %mul3A_426 : vector<16xf32>
        %mul3A_428 = arith.mulf %get3A_30, %max3A_427 : vector<16xf32>
        %add3A_429 = arith.addf %add3A_416, %mul3A_428 : vector<16xf32>
        %get3A_430 = arith.index_cast %scan3A_350 : i32 to index
        %get3A_431 = arith.constant 96 : index
        %get3A_432 = tpu.vector_load %arg15[%get3A_430, %get3A_431] {strides = array<i32>} : memref<128x128xf32, #tpu.memory_space<vmem>>, vector<16xf32>,
        %get3A_433 = arith.index_cast %scan3A_350 : i32 to index
        %get3A_434 = arith.constant 96 : index
        %get3A_435 = tpu.vector_load %arg16[%get3A_433, %get3A_434] {strides = array<i32>} : memref<128x128xf32, #tpu.memory_space<vmem>>, vector<16xf32>,
        %add3A_436 = arith.addf %get3A_432, %get3A_435 : vector<16xf32>
        %mul3A_437 = arith.constant 2.000000e-01 : f32
        %mul3A_438 = vector.broadcast %mul3A_437 : f32 to vector<16xf32>
        %mul3A_439 = arith.mulf %mul3A_438, %add3A_436 : vector<16xf32>
        %max3A_440 = arith.maximumf %add3A_436, %mul3A_439 : vector<16xf32>
        %mul3A_441 = arith.mulf %get3A_32, %max3A_440 : vector<16xf32>
        %add3A_442 = arith.addf %add3A_429, %mul3A_441 : vector<16xf32>
        %get3A_443 = arith.index_cast %scan3A_350 : i32 to index
        %get3A_444 = arith.constant 112 : index
        %get3A_445 = tpu.vector_load %arg15[%get3A_443, %get3A_444] {strides = array<i32>} : memref<128x128xf32, #tpu.memory_space<vmem>>, vector<16xf32>,
        %get3A_446 = arith.index_cast %scan3A_350 : i32 to index
        %get3A_447 = arith.constant 112 : index
        %get3A_448 = tpu.vector_load %arg16[%get3A_446, %get3A_447] {strides = array<i32>} : memref<128x128xf32, #tpu.memory_space<vmem>>, vector<16xf32>,
        %add3A_449 = arith.addf %get3A_445, %get3A_448 : vector<16xf32>
        %mul3A_450 = arith.constant 2.000000e-01 : f32
        %mul3A_451 = vector.broadcast %mul3A_450 : f32 to vector<16xf32>
        %mul3A_452 = arith.mulf %mul3A_451, %add3A_449 : vector<16xf32>
        %max3A_453 = arith.maximumf %add3A_449, %mul3A_452 : vector<16xf32>
        %mul3A_454 = arith.mulf %get3A_34, %max3A_453 : vector<16xf32>
        %add3A_455 = arith.addf %add3A_442, %mul3A_454 : vector<16xf32>
        %reduce_sum3A = arith.constant true
        %reduce_sum3A_456 = vector.broadcast %reduce_sum3A : i1 to vector<16xi1>
        %reduce_sum3A_457 = tpu.scan <sum>, %add3A_455 masked %reduce_sum3A_456 : vector<16xf32>, vector<16xi1> -> vector<16xf32>
        %reduce_sum3A_458 = vector.extract %reduce_sum3A_457[15] : f32 from vector<16xf32>
        %broadcast_in_dim3A_459 = arith.constant 1.000000e+00 : f32
        %broadcast_in_dim3A_460 = vector.broadcast %broadcast_in_dim3A_459 : f32 to vector<16xf32>
        %mul3A_461 = vector.broadcast %reduce_sum3A_458 : f32 to vector<16xf32>
        %mul3A_462 = arith.mulf %broadcast_in_dim3A_460, %mul3A_461 : vector<16xf32>
        %exp3A = math.exp %mul3A_462 : vector<16xf32>
        %mul3A_463 = arith.mulf %get3A_355, %exp3A : vector<16xf32>
        %swap3A_464 = arith.index_cast %scan3A_350 : i32 to index
        %swap3A_465 = arith.constant 0 : index
        %swap3A_466 = tpu.vector_load %arg17[%swap3A_464, %swap3A_465] {strides = array<i32>} : memref<128x128xf32, #tpu.memory_space<vmem>>, vector<16xf32>,
        tpu.vector_store %arg17[%swap3A_464, %swap3A_465], %mul3A_463 {strides = array<i32>} : memref<128x128xf32, #tpu.memory_space<vmem>>, vector<16xf32>,
        %mul3A_467 = arith.mulf %get3A_367, %exp3A : vector<16xf32>
        %swap3A_468 = arith.index_cast %scan3A_350 : i32 to index
        %swap3A_469 = arith.constant 16 : index
        %swap3A_470 = tpu.vector_load %arg17[%swap3A_468, %swap3A_469] {strides = array<i32>} : memref<128x128xf32, #tpu.memory_space<vmem>>, vector<16xf32>,
        tpu.vector_store %arg17[%swap3A_468, %swap3A_469], %mul3A_467 {strides = array<i32>} : memref<128x128xf32, #tpu.memory_space<vmem>>, vector<16xf32>,
        %mul3A_471 = arith.mulf %get3A_380, %exp3A : vector<16xf32>
        %swap3A_472 = arith.index_cast %scan3A_350 : i32 to index
        %swap3A_473 = arith.constant 32 : index
        %swap3A_474 = tpu.vector_load %arg17[%swap3A_472, %swap3A_473] {strides = array<i32>} : memref<128x128xf32, #tpu.memory_space<vmem>>, vector<16xf32>,
        tpu.vector_store %arg17[%swap3A_472, %swap3A_473], %mul3A_471 {strides = array<i32>} : memref<128x128xf32, #tpu.memory_space<vmem>>, vector<16xf32>,
        %mul3A_475 = arith.mulf %get3A_393, %exp3A : vector<16xf32>
        %swap3A_476 = arith.index_cast %scan3A_350 : i32 to index
        %swap3A_477 = arith.constant 48 : index
        %swap3A_478 = tpu.vector_load %arg17[%swap3A_476, %swap3A_477] {strides = array<i32>} : memref<128x128xf32, #tpu.memory_space<vmem>>, vector<16xf32>,
        tpu.vector_store %arg17[%swap3A_476, %swap3A_477], %mul3A_475 {strides = array<i32>} : memref<128x128xf32, #tpu.memory_space<vmem>>, vector<16xf32>,
        %mul3A_479 = arith.mulf %get3A_406, %exp3A : vector<16xf32>
        %swap3A_480 = arith.index_cast %scan3A_350 : i32 to index
        %swap3A_481 = arith.constant 64 : index
        %swap3A_482 = tpu.vector_load %arg17[%swap3A_480, %swap3A_481] {strides = array<i32>} : memref<128x128xf32, #tpu.memory_space<vmem>>, vector<16xf32>,
        tpu.vector_store %arg17[%swap3A_480, %swap3A_481], %mul3A_479 {strides = array<i32>} : memref<128x128xf32, #tpu.memory_space<vmem>>, vector<16xf32>,
        %mul3A_483 = arith.mulf %get3A_419, %exp3A : vector<16xf32>
        %swap3A_484 = arith.index_cast %scan3A_350 : i32 to index
        %swap3A_485 = arith.constant 80 : index
        %swap3A_486 = tpu.vector_load %arg17[%swap3A_484, %swap3A_485] {strides = array<i32>} : memref<128x128xf32, #tpu.memory_space<vmem>>, vector<16xf32>,
        tpu.vector_store %arg17[%swap3A_484, %swap3A_485], %mul3A_483 {strides = array<i32>} : memref<128x128xf32, #tpu.memory_space<vmem>>, vector<16xf32>,
        %mul3A_487 = arith.mulf %get3A_432, %exp3A : vector<16xf32>
        %swap3A_488 = arith.index_cast %scan3A_350 : i32 to index
        %swap3A_489 = arith.constant 96 : index
        %swap3A_490 = tpu.vector_load %arg17[%swap3A_488, %swap3A_489] {strides = array<i32>} : memref<128x128xf32, #tpu.memory_space<vmem>>, vector<16xf32>,
        tpu.vector_store %arg17[%swap3A_488, %swap3A_489], %mul3A_487 {strides = array<i32>} : memref<128x128xf32, #tpu.memory_space<vmem>>, vector<16xf32>,
        %mul3A_491 = arith.mulf %get3A_445, %exp3A : vector<16xf32>
        %swap3A_492 = arith.index_cast %scan3A_350 : i32 to index
        %swap3A_493 = arith.constant 112 : index
        %swap3A_494 = tpu.vector_load %arg17[%swap3A_492, %swap3A_493] {strides = array<i32>} : memref<128x128xf32, #tpu.memory_space<vmem>>, vector<16xf32>,
        tpu.vector_store %arg17[%swap3A_492, %swap3A_493], %mul3A_491 {strides = array<i32>} : memref<128x128xf32, #tpu.memory_space<vmem>>, vector<16xf32>,
        %get3A_495 = arith.index_cast %scan3A_350 : i32 to index
        %get3A_496 = tpu.vector_load %arg12[%get3A_495] {strides = array<i32>} : memref<144xi32, #tpu.memory_space<vmem>>, vector<16xi32>,
        %slice3A = vector.extract_strided_slice %get3A_496 {offsets = [0], sizes = [1], strides = [1]} : vector<16xi32> to vector<1xi32>
        %squeeze3A = vector.extract %slice3A[0] : i32 from vector<1xi32>
        %rem3A = arith.constant 8 : i32
        %rem3A_497 = arith.remsi %squeeze3A, %rem3A : i32
        %mul3A_498 = arith.constant 16 : i32
        %mul3A_499 = arith.muli %rem3A_497, %mul3A_498 : i32
        %swap3A_500 = arith.index_cast %scan3A_350 : i32 to index
        %swap3A_501 = arith.constant 0 : index
        %swap3A_502 = tpu.vector_load %arg18[%swap3A_500, %swap3A_501] {strides = array<i32>} : memref<128x128xf32, #tpu.memory_space<vmem>>, vector<16xf32>,
        tpu.vector_store %arg18[%swap3A_500, %swap3A_501], %broadcast_in_dim3A_0 {strides = array<i32>} : memref<128x128xf32, #tpu.memory_space<vmem>>, vector<16xf32>,
        %swap3A_503 = arith.index_cast %scan3A_350 : i32 to index
        %swap3A_504 = arith.constant 16 : index
        %swap3A_505 = tpu.vector_load %arg18[%swap3A_503, %swap3A_504] {strides = array<i32>} : memref<128x128xf32, #tpu.memory_space<vmem>>, vector<16xf32>,
        tpu.vector_store %arg18[%swap3A_503, %swap3A_504], %broadcast_in_dim3A_0 {strides = array<i32>} : memref<128x128xf32, #tpu.memory_space<vmem>>, vector<16xf32>,
        %swap3A_506 = arith.index_cast %scan3A_350 : i32 to index
        %swap3A_507 = arith.constant 32 : index
        %swap3A_508 = tpu.vector_load %arg18[%swap3A_506, %swap3A_507] {strides = array<i32>} : memref<128x128xf32, #tpu.memory_space<vmem>>, vector<16xf32>,
        tpu.vector_store %arg18[%swap3A_506, %swap3A_507], %broadcast_in_dim3A_0 {strides = array<i32>} : memref<128x128xf32, #tpu.memory_space<vmem>>, vector<16xf32>,
        %swap3A_509 = arith.index_cast %scan3A_350 : i32 to index
        %swap3A_510 = arith.constant 48 : index
        %swap3A_511 = tpu.vector_load %arg18[%swap3A_509, %swap3A_510] {strides = array<i32>} : memref<128x128xf32, #tpu.memory_space<vmem>>, vector<16xf32>,
        tpu.vector_store %arg18[%swap3A_509, %swap3A_510], %broadcast_in_dim3A_0 {strides = array<i32>} : memref<128x128xf32, #tpu.memory_space<vmem>>, vector<16xf32>,
        %swap3A_512 = arith.index_cast %scan3A_350 : i32 to index
        %swap3A_513 = arith.constant 64 : index
        %swap3A_514 = tpu.vector_load %arg18[%swap3A_512, %swap3A_513] {strides = array<i32>} : memref<128x128xf32, #tpu.memory_space<vmem>>, vector<16xf32>,
        tpu.vector_store %arg18[%swap3A_512, %swap3A_513], %broadcast_in_dim3A_0 {strides = array<i32>} : memref<128x128xf32, #tpu.memory_space<vmem>>, vector<16xf32>,
        %swap3A_515 = arith.index_cast %scan3A_350 : i32 to index
        %swap3A_516 = arith.constant 80 : index
        %swap3A_517 = tpu.vector_load %arg18[%swap3A_515, %swap3A_516] {strides = array<i32>} : memref<128x128xf32, #tpu.memory_space<vmem>>, vector<16xf32>,
        tpu.vector_store %arg18[%swap3A_515, %swap3A_516], %broadcast_in_dim3A_0 {strides = array<i32>} : memref<128x128xf32, #tpu.memory_space<vmem>>, vector<16xf32>,
        %swap3A_518 = arith.index_cast %scan3A_350 : i32 to index
        %swap3A_519 = arith.constant 96 : index
        %swap3A_520 = tpu.vector_load %arg18[%swap3A_518, %swap3A_519] {strides = array<i32>} : memref<128x128xf32, #tpu.memory_space<vmem>>, vector<16xf32>,
        tpu.vector_store %arg18[%swap3A_518, %swap3A_519], %broadcast_in_dim3A_0 {strides = array<i32>} : memref<128x128xf32, #tpu.memory_space<vmem>>, vector<16xf32>,
        %swap3A_521 = arith.index_cast %scan3A_350 : i32 to index
        %swap3A_522 = arith.constant 112 : index
        %swap3A_523 = tpu.vector_load %arg18[%swap3A_521, %swap3A_522] {strides = array<i32>} : memref<128x128xf32, #tpu.memory_space<vmem>>, vector<16xf32>,
        tpu.vector_store %arg18[%swap3A_521, %swap3A_522], %broadcast_in_dim3A_0 {strides = array<i32>} : memref<128x128xf32, #tpu.memory_space<vmem>>, vector<16xf32>,
        %eq3A_524 = arith.constant 0 : i32
        %eq3A_525 = vector.broadcast %eq3A_524 : i32 to vector<16xi32>
        %eq3A_526 = arith.cmpi eq, %iota3A, %eq3A_525 : vector<16xi32>
        %select_n3A_527 = arith.select %eq3A_526, %exp3A, %broadcast_in_dim3A_0 : vector<16xi1>, vector<16xf32>
        %swap3A_528 = arith.index_cast %scan3A_350 : i32 to index
        %swap3A_529 = arith.index_cast %mul3A_499 : i32 to index
        %swap3A_530 = tpu.vector_load %arg18[%swap3A_528, %swap3A_529] {strides = array<i32>} : memref<128x128xf32, #tpu.memory_space<vmem>>, vector<16xf32>,
        tpu.vector_store %arg18[%swap3A_528, %swap3A_529], %select_n3A_527 {strides = array<i32>} : memref<128x128xf32, #tpu.memory_space<vmem>>, vector<16xf32>,
        %scan3A_531 = arith.constant 1 : i32
        %scan3A_532 = arith.addi %scan3A_350, %scan3A_531 : i32
        %broadcast_in_dim3A_533 = arith.constant 0.000000e+00 : f32
        %broadcast_in_dim3A_534 = vector.broadcast %broadcast_in_dim3A_533 : f32 to vector<16xf32>
        %get3A_535 = arith.index_cast %scan3A_532 : i32 to index
        %get3A_536 = arith.constant 0 : index
        %get3A_537 = tpu.vector_load %arg15[%get3A_535, %get3A_536] {strides = array<i32>} : memref<128x128xf32, #tpu.memory_space<vmem>>, vector<16xf32>,
        %get3A_538 = arith.index_cast %scan3A_532 : i32 to index
        %get3A_539 = arith.constant 0 : index
        %get3A_540 = tpu.vector_load %arg16[%get3A_538, %get3A_539] {strides = array<i32>} : memref<128x128xf32, #tpu.memory_space<vmem>>, vector<16xf32>,
        %add3A_541 = arith.addf %get3A_537, %get3A_540 : vector<16xf32>
        %mul3A_542 = arith.constant 2.000000e-01 : f32
        %mul3A_543 = vector.broadcast %mul3A_542 : f32 to vector<16xf32>
        %mul3A_544 = arith.mulf %mul3A_543, %add3A_541 : vector<16xf32>
        %max3A_545 = arith.maximumf %add3A_541, %mul3A_544 : vector<16xf32>
        %mul3A_546 = arith.mulf %get3A_20, %max3A_545 : vector<16xf32>
        %add3A_547 = arith.addf %broadcast_in_dim3A_534, %mul3A_546 : vector<16xf32>
        %get3A_548 = arith.index_cast %scan3A_532 : i32 to index
        %get3A_549 = arith.constant 16 : index
        %get3A_550 = tpu.vector_load %arg15[%get3A_548, %get3A_549] {strides = array<i32>} : memref<128x128xf32, #tpu.memory_space<vmem>>, vector<16xf32>,
        %get3A_551 = arith.index_cast %scan3A_532 : i32 to index
        %get3A_552 = arith.constant 16 : index
        %get3A_553 = tpu.vector_load %arg16[%get3A_551, %get3A_552] {strides = array<i32>} : memref<128x128xf32, #tpu.memory_space<vmem>>, vector<16xf32>,
        %add3A_554 = arith.addf %get3A_550, %get3A_553 : vector<16xf32>
        %mul3A_555 = arith.constant 2.000000e-01 : f32
        %mul3A_556 = vector.broadcast %mul3A_555 : f32 to vector<16xf32>
        %mul3A_557 = arith.mulf %mul3A_556, %add3A_554 : vector<16xf32>
        %max3A_558 = arith.maximumf %add3A_554, %mul3A_557 : vector<16xf32>
        %mul3A_559 = arith.mulf %get3A_22, %max3A_558 : vector<16xf32>
        %add3A_560 = arith.addf %add3A_547, %mul3A_559 : vector<16xf32>
        %get3A_561 = arith.index_cast %scan3A_532 : i32 to index
        %get3A_562 = arith.constant 32 : index
        %get3A_563 = tpu.vector_load %arg15[%get3A_561, %get3A_562] {strides = array<i32>} : memref<128x128xf32, #tpu.memory_space<vmem>>, vector<16xf32>,
        %get3A_564 = arith.index_cast %scan3A_532 : i32 to index
        %get3A_565 = arith.constant 32 : index
        %get3A_566 = tpu.vector_load %arg16[%get3A_564, %get3A_565] {strides = array<i32>} : memref<128x128xf32, #tpu.memory_space<vmem>>, vector<16xf32>,
        %add3A_567 = arith.addf %get3A_563, %get3A_566 : vector<16xf32>
        %mul3A_568 = arith.constant 2.000000e-01 : f32
        %mul3A_569 = vector.broadcast %mul3A_568 : f32 to vector<16xf32>
        %mul3A_570 = arith.mulf %mul3A_569, %add3A_567 : vector<16xf32>
        %max3A_571 = arith.maximumf %add3A_567, %mul3A_570 : vector<16xf32>
        %mul3A_572 = arith.mulf %get3A_24, %max3A_571 : vector<16xf32>
        %add3A_573 = arith.addf %add3A_560, %mul3A_572 : vector<16xf32>
        %get3A_574 = arith.index_cast %scan3A_532 : i32 to index
        %get3A_575 = arith.constant 48 : index
        %get3A_576 = tpu.vector_load %arg15[%get3A_574, %get3A_575] {strides = array<i32>} : memref<128x128xf32, #tpu.memory_space<vmem>>, vector<16xf32>,
        %get3A_577 = arith.index_cast %scan3A_532 : i32 to index
        %get3A_578 = arith.constant 48 : index
        %get3A_579 = tpu.vector_load %arg16[%get3A_577, %get3A_578] {strides = array<i32>} : memref<128x128xf32, #tpu.memory_space<vmem>>, vector<16xf32>,
        %add3A_580 = arith.addf %get3A_576, %get3A_579 : vector<16xf32>
        %mul3A_581 = arith.constant 2.000000e-01 : f32
        %mul3A_582 = vector.broadcast %mul3A_581 : f32 to vector<16xf32>
        %mul3A_583 = arith.mulf %mul3A_582, %add3A_580 : vector<16xf32>
        %max3A_584 = arith.maximumf %add3A_580, %mul3A_583 : vector<16xf32>
        %mul3A_585 = arith.mulf %get3A_26, %max3A_584 : vector<16xf32>
        %add3A_586 = arith.addf %add3A_573, %mul3A_585 : vector<16xf32>
        %get3A_587 = arith.index_cast %scan3A_532 : i32 to index
        %get3A_588 = arith.constant 64 : index
        %get3A_589 = tpu.vector_load %arg15[%get3A_587, %get3A_588] {strides = array<i32>} : memref<128x128xf32, #tpu.memory_space<vmem>>, vector<16xf32>,
        %get3A_590 = arith.index_cast %scan3A_532 : i32 to index
        %get3A_591 = arith.constant 64 : index
        %get3A_592 = tpu.vector_load %arg16[%get3A_590, %get3A_591] {strides = array<i32>} : memref<128x128xf32, #tpu.memory_space<vmem>>, vector<16xf32>,
        %add3A_593 = arith.addf %get3A_589, %get3A_592 : vector<16xf32>
        %mul3A_594 = arith.constant 2.000000e-01 : f32
        %mul3A_595 = vector.broadcast %mul3A_594 : f32 to vector<16xf32>
        %mul3A_596 = arith.mulf %mul3A_595, %add3A_593 : vector<16xf32>
        %max3A_597 = arith.maximumf %add3A_593, %mul3A_596 : vector<16xf32>
        %mul3A_598 = arith.mulf %get3A_28, %max3A_597 : vector<16xf32>
        %add3A_599 = arith.addf %add3A_586, %mul3A_598 : vector<16xf32>
        %get3A_600 = arith.index_cast %scan3A_532 : i32 to index
        %get3A_601 = arith.constant 80 : index
        %get3A_602 = tpu.vector_load %arg15[%get3A_600, %get3A_601] {strides = array<i32>} : memref<128x128xf32, #tpu.memory_space<vmem>>, vector<16xf32>,
        %get3A_603 = arith.index_cast %scan3A_532 : i32 to index
        %get3A_604 = arith.constant 80 : index
        %get3A_605 = tpu.vector_load %arg16[%get3A_603, %get3A_604] {strides = array<i32>} : memref<128x128xf32, #tpu.memory_space<vmem>>, vector<16xf32>,
        %add3A_606 = arith.addf %get3A_602, %get3A_605 : vector<16xf32>
        %mul3A_607 = arith.constant 2.000000e-01 : f32
        %mul3A_608 = vector.broadcast %mul3A_607 : f32 to vector<16xf32>
        %mul3A_609 = arith.mulf %mul3A_608, %add3A_606 : vector<16xf32>
        %max3A_610 = arith.maximumf %add3A_606, %mul3A_609 : vector<16xf32>
        %mul3A_611 = arith.mulf %get3A_30, %max3A_610 : vector<16xf32>
        %add3A_612 = arith.addf %add3A_599, %mul3A_611 : vector<16xf32>
        %get3A_613 = arith.index_cast %scan3A_532 : i32 to index
        %get3A_614 = arith.constant 96 : index
        %get3A_615 = tpu.vector_load %arg15[%get3A_613, %get3A_614] {strides = array<i32>} : memref<128x128xf32, #tpu.memory_space<vmem>>, vector<16xf32>,
        %get3A_616 = arith.index_cast %scan3A_532 : i32 to index
        %get3A_617 = arith.constant 96 : index
        %get3A_618 = tpu.vector_load %arg16[%get3A_616, %get3A_617] {strides = array<i32>} : memref<128x128xf32, #tpu.memory_space<vmem>>, vector<16xf32>,
        %add3A_619 = arith.addf %get3A_615, %get3A_618 : vector<16xf32>
        %mul3A_620 = arith.constant 2.000000e-01 : f32
        %mul3A_621 = vector.broadcast %mul3A_620 : f32 to vector<16xf32>
        %mul3A_622 = arith.mulf %mul3A_621, %add3A_619 : vector<16xf32>
        %max3A_623 = arith.maximumf %add3A_619, %mul3A_622 : vector<16xf32>
        %mul3A_624 = arith.mulf %get3A_32, %max3A_623 : vector<16xf32>
        %add3A_625 = arith.addf %add3A_612, %mul3A_624 : vector<16xf32>
        %get3A_626 = arith.index_cast %scan3A_532 : i32 to index
        %get3A_627 = arith.constant 112 : index
        %get3A_628 = tpu.vector_load %arg15[%get3A_626, %get3A_627] {strides = array<i32>} : memref<128x128xf32, #tpu.memory_space<vmem>>, vector<16xf32>,
        %get3A_629 = arith.index_cast %scan3A_532 : i32 to index
        %get3A_630 = arith.constant 112 : index
        %get3A_631 = tpu.vector_load %arg16[%get3A_629, %get3A_630] {strides = array<i32>} : memref<128x128xf32, #tpu.memory_space<vmem>>, vector<16xf32>,
        %add3A_632 = arith.addf %get3A_628, %get3A_631 : vector<16xf32>
        %mul3A_633 = arith.constant 2.000000e-01 : f32
        %mul3A_634 = vector.broadcast %mul3A_633 : f32 to vector<16xf32>
        %mul3A_635 = arith.mulf %mul3A_634, %add3A_632 : vector<16xf32>
        %max3A_636 = arith.maximumf %add3A_632, %mul3A_635 : vector<16xf32>
        %mul3A_637 = arith.mulf %get3A_34, %max3A_636 : vector<16xf32>
        %add3A_638 = arith.addf %add3A_625, %mul3A_637 : vector<16xf32>
        %reduce_sum3A_639 = arith.constant true
        %reduce_sum3A_640 = vector.broadcast %reduce_sum3A_639 : i1 to vector<16xi1>
        %reduce_sum3A_641 = tpu.scan <sum>, %add3A_638 masked %reduce_sum3A_640 : vector<16xf32>, vector<16xi1> -> vector<16xf32>
        %reduce_sum3A_642 = vector.extract %reduce_sum3A_641[15] : f32 from vector<16xf32>
        %broadcast_in_dim3A_643 = arith.constant 1.000000e+00 : f32
        %broadcast_in_dim3A_644 = vector.broadcast %broadcast_in_dim3A_643 : f32 to vector<16xf32>
        %mul3A_645 = vector.broadcast %reduce_sum3A_642 : f32 to vector<16xf32>
        %mul3A_646 = arith.mulf %broadcast_in_dim3A_644, %mul3A_645 : vector<16xf32>
        %exp3A_647 = math.exp %mul3A_646 : vector<16xf32>
        %mul3A_648 = arith.mulf %get3A_537, %exp3A_647 : vector<16xf32>
        %swap3A_649 = arith.index_cast %scan3A_532 : i32 to index
        %swap3A_650 = arith.constant 0 : index
        %swap3A_651 = tpu.vector_load %arg17[%swap3A_649, %swap3A_650] {strides = array<i32>} : memref<128x128xf32, #tpu.memory_space<vmem>>, vector<16xf32>,
        tpu.vector_store %arg17[%swap3A_649, %swap3A_650], %mul3A_648 {strides = array<i32>} : memref<128x128xf32, #tpu.memory_space<vmem>>, vector<16xf32>,
        %mul3A_652 = arith.mulf %get3A_550, %exp3A_647 : vector<16xf32>
        %swap3A_653 = arith.index_cast %scan3A_532 : i32 to index
        %swap3A_654 = arith.constant 16 : index
        %swap3A_655 = tpu.vector_load %arg17[%swap3A_653, %swap3A_654] {strides = array<i32>} : memref<128x128xf32, #tpu.memory_space<vmem>>, vector<16xf32>,
        tpu.vector_store %arg17[%swap3A_653, %swap3A_654], %mul3A_652 {strides = array<i32>} : memref<128x128xf32, #tpu.memory_space<vmem>>, vector<16xf32>,
        %mul3A_656 = arith.mulf %get3A_563, %exp3A_647 : vector<16xf32>
        %swap3A_657 = arith.index_cast %scan3A_532 : i32 to index
        %swap3A_658 = arith.constant 32 : index
        %swap3A_659 = tpu.vector_load %arg17[%swap3A_657, %swap3A_658] {strides = array<i32>} : memref<128x128xf32, #tpu.memory_space<vmem>>, vector<16xf32>,
        tpu.vector_store %arg17[%swap3A_657, %swap3A_658], %mul3A_656 {strides = array<i32>} : memref<128x128xf32, #tpu.memory_space<vmem>>, vector<16xf32>,
        %mul3A_660 = arith.mulf %get3A_576, %exp3A_647 : vector<16xf32>
        %swap3A_661 = arith.index_cast %scan3A_532 : i32 to index
        %swap3A_662 = arith.constant 48 : index
        %swap3A_663 = tpu.vector_load %arg17[%swap3A_661, %swap3A_662] {strides = array<i32>} : memref<128x128xf32, #tpu.memory_space<vmem>>, vector<16xf32>,
        tpu.vector_store %arg17[%swap3A_661, %swap3A_662], %mul3A_660 {strides = array<i32>} : memref<128x128xf32, #tpu.memory_space<vmem>>, vector<16xf32>,
        %mul3A_664 = arith.mulf %get3A_589, %exp3A_647 : vector<16xf32>
        %swap3A_665 = arith.index_cast %scan3A_532 : i32 to index
        %swap3A_666 = arith.constant 64 : index
        %swap3A_667 = tpu.vector_load %arg17[%swap3A_665, %swap3A_666] {strides = array<i32>} : memref<128x128xf32, #tpu.memory_space<vmem>>, vector<16xf32>,
        tpu.vector_store %arg17[%swap3A_665, %swap3A_666], %mul3A_664 {strides = array<i32>} : memref<128x128xf32, #tpu.memory_space<vmem>>, vector<16xf32>,
        %mul3A_668 = arith.mulf %get3A_602, %exp3A_647 : vector<16xf32>
        %swap3A_669 = arith.index_cast %scan3A_532 : i32 to index
        %swap3A_670 = arith.constant 80 : index
        %swap3A_671 = tpu.vector_load %arg17[%swap3A_669, %swap3A_670] {strides = array<i32>} : memref<128x128xf32, #tpu.memory_space<vmem>>, vector<16xf32>,
        tpu.vector_store %arg17[%swap3A_669, %swap3A_670], %mul3A_668 {strides = array<i32>} : memref<128x128xf32, #tpu.memory_space<vmem>>, vector<16xf32>,
        %mul3A_672 = arith.mulf %get3A_615, %exp3A_647 : vector<16xf32>
        %swap3A_673 = arith.index_cast %scan3A_532 : i32 to index
        %swap3A_674 = arith.constant 96 : index
        %swap3A_675 = tpu.vector_load %arg17[%swap3A_673, %swap3A_674] {strides = array<i32>} : memref<128x128xf32, #tpu.memory_space<vmem>>, vector<16xf32>,
        tpu.vector_store %arg17[%swap3A_673, %swap3A_674], %mul3A_672 {strides = array<i32>} : memref<128x128xf32, #tpu.memory_space<vmem>>, vector<16xf32>,
        %mul3A_676 = arith.mulf %get3A_628, %exp3A_647 : vector<16xf32>
        %swap3A_677 = arith.index_cast %scan3A_532 : i32 to index
        %swap3A_678 = arith.constant 112 : index
        %swap3A_679 = tpu.vector_load %arg17[%swap3A_677, %swap3A_678] {strides = array<i32>} : memref<128x128xf32, #tpu.memory_space<vmem>>, vector<16xf32>,
        tpu.vector_store %arg17[%swap3A_677, %swap3A_678], %mul3A_676 {strides = array<i32>} : memref<128x128xf32, #tpu.memory_space<vmem>>, vector<16xf32>,
        %get3A_680 = arith.index_cast %scan3A_532 : i32 to index
        %get3A_681 = tpu.vector_load %arg12[%get3A_680] {strides = array<i32>} : memref<144xi32, #tpu.memory_space<vmem>>, vector<16xi32>,
        %slice3A_682 = vector.extract_strided_slice %get3A_681 {offsets = [0], sizes = [1], strides = [1]} : vector<16xi32> to vector<1xi32>
        %squeeze3A_683 = vector.extract %slice3A_682[0] : i32 from vector<1xi32>
        %rem3A_684 = arith.constant 8 : i32
        %rem3A_685 = arith.remsi %squeeze3A_683, %rem3A_684 : i32
        %mul3A_686 = arith.constant 16 : i32
        %mul3A_687 = arith.muli %rem3A_685, %mul3A_686 : i32
        %swap3A_688 = arith.index_cast %scan3A_532 : i32 to index
        %swap3A_689 = arith.constant 0 : index
        %swap3A_690 = tpu.vector_load %arg18[%swap3A_688, %swap3A_689] {strides = array<i32>} : memref<128x128xf32, #tpu.memory_space<vmem>>, vector<16xf32>,
        tpu.vector_store %arg18[%swap3A_688, %swap3A_689], %broadcast_in_dim3A_0 {strides = array<i32>} : memref<128x128xf32, #tpu.memory_space<vmem>>, vector<16xf32>,
        %swap3A_691 = arith.index_cast %scan3A_532 : i32 to index
        %swap3A_692 = arith.constant 16 : index
        %swap3A_693 = tpu.vector_load %arg18[%swap3A_691, %swap3A_692] {strides = array<i32>} : memref<128x128xf32, #tpu.memory_space<vmem>>, vector<16xf32>,
        tpu.vector_store %arg18[%swap3A_691, %swap3A_692], %broadcast_in_dim3A_0 {strides = array<i32>} : memref<128x128xf32, #tpu.memory_space<vmem>>, vector<16xf32>,
        %swap3A_694 = arith.index_cast %scan3A_532 : i32 to index
        %swap3A_695 = arith.constant 32 : index
        %swap3A_696 = tpu.vector_load %arg18[%swap3A_694, %swap3A_695] {strides = array<i32>} : memref<128x128xf32, #tpu.memory_space<vmem>>, vector<16xf32>,
        tpu.vector_store %arg18[%swap3A_694, %swap3A_695], %broadcast_in_dim3A_0 {strides = array<i32>} : memref<128x128xf32, #tpu.memory_space<vmem>>, vector<16xf32>,
        %swap3A_697 = arith.index_cast %scan3A_532 : i32 to index
        %swap3A_698 = arith.constant 48 : index
        %swap3A_699 = tpu.vector_load %arg18[%swap3A_697, %swap3A_698] {strides = array<i32>} : memref<128x128xf32, #tpu.memory_space<vmem>>, vector<16xf32>,
        tpu.vector_store %arg18[%swap3A_697, %swap3A_698], %broadcast_in_dim3A_0 {strides = array<i32>} : memref<128x128xf32, #tpu.memory_space<vmem>>, vector<16xf32>,
        %swap3A_700 = arith.index_cast %scan3A_532 : i32 to index
        %swap3A_701 = arith.constant 64 : index
        %swap3A_702 = tpu.vector_load %arg18[%swap3A_700, %swap3A_701] {strides = array<i32>} : memref<128x128xf32, #tpu.memory_space<vmem>>, vector<16xf32>,
        tpu.vector_store %arg18[%swap3A_700, %swap3A_701], %broadcast_in_dim3A_0 {strides = array<i32>} : memref<128x128xf32, #tpu.memory_space<vmem>>, vector<16xf32>,
        %swap3A_703 = arith.index_cast %scan3A_532 : i32 to index
        %swap3A_704 = arith.constant 80 : index
        %swap3A_705 = tpu.vector_load %arg18[%swap3A_703, %swap3A_704] {strides = array<i32>} : memref<128x128xf32, #tpu.memory_space<vmem>>, vector<16xf32>,
        tpu.vector_store %arg18[%swap3A_703, %swap3A_704], %broadcast_in_dim3A_0 {strides = array<i32>} : memref<128x128xf32, #tpu.memory_space<vmem>>, vector<16xf32>,
        %swap3A_706 = arith.index_cast %scan3A_532 : i32 to index
        %swap3A_707 = arith.constant 96 : index
        %swap3A_708 = tpu.vector_load %arg18[%swap3A_706, %swap3A_707] {strides = array<i32>} : memref<128x128xf32, #tpu.memory_space<vmem>>, vector<16xf32>,
        tpu.vector_store %arg18[%swap3A_706, %swap3A_707], %broadcast_in_dim3A_0 {strides = array<i32>} : memref<128x128xf32, #tpu.memory_space<vmem>>, vector<16xf32>,
        %swap3A_709 = arith.index_cast %scan3A_532 : i32 to index
        %swap3A_710 = arith.constant 112 : index
        %swap3A_711 = tpu.vector_load %arg18[%swap3A_709, %swap3A_710] {strides = array<i32>} : memref<128x128xf32, #tpu.memory_space<vmem>>, vector<16xf32>,
        tpu.vector_store %arg18[%swap3A_709, %swap3A_710], %broadcast_in_dim3A_0 {strides = array<i32>} : memref<128x128xf32, #tpu.memory_space<vmem>>, vector<16xf32>,
        %eq3A_712 = arith.constant 0 : i32
        %eq3A_713 = vector.broadcast %eq3A_712 : i32 to vector<16xi32>
        %eq3A_714 = arith.cmpi eq, %iota3A, %eq3A_713 : vector<16xi32>
        %select_n3A_715 = arith.select %eq3A_714, %exp3A_647, %broadcast_in_dim3A_0 : vector<16xi1>, vector<16xf32>
        %swap3A_716 = arith.index_cast %scan3A_532 : i32 to index
        %swap3A_717 = arith.index_cast %mul3A_687 : i32 to index
        %swap3A_718 = tpu.vector_load %arg18[%swap3A_716, %swap3A_717] {strides = array<i32>} : memref<128x128xf32, #tpu.memory_space<vmem>>, vector<16xf32>,
        tpu.vector_store %arg18[%swap3A_716, %swap3A_717], %select_n3A_715 {strides = array<i32>} : memref<128x128xf32, #tpu.memory_space<vmem>>, vector<16xf32>,
        %scan3A_719 = arith.constant 2 : i32
        %scan3A_720 = arith.addi %scan3A_350, %scan3A_719 : i32
        %broadcast_in_dim3A_721 = arith.constant 0.000000e+00 : f32
        %broadcast_in_dim3A_722 = vector.broadcast %broadcast_in_dim3A_721 : f32 to vector<16xf32>
        %get3A_723 = arith.index_cast %scan3A_720 : i32 to index
        %get3A_724 = arith.constant 0 : index
        %get3A_725 = tpu.vector_load %arg15[%get3A_723, %get3A_724] {strides = array<i32>} : memref<128x128xf32, #tpu.memory_space<vmem>>, vector<16xf32>,
        %get3A_726 = arith.index_cast %scan3A_720 : i32 to index
        %get3A_727 = arith.constant 0 : index
        %get3A_728 = tpu.vector_load %arg16[%get3A_726, %get3A_727] {strides = array<i32>} : memref<128x128xf32, #tpu.memory_space<vmem>>, vector<16xf32>,
        %add3A_729 = arith.addf %get3A_725, %get3A_728 : vector<16xf32>
        %mul3A_730 = arith.constant 2.000000e-01 : f32
        %mul3A_731 = vector.broadcast %mul3A_730 : f32 to vector<16xf32>
        %mul3A_732 = arith.mulf %mul3A_731, %add3A_729 : vector<16xf32>
        %max3A_733 = arith.maximumf %add3A_729, %mul3A_732 : vector<16xf32>
        %mul3A_734 = arith.mulf %get3A_20, %max3A_733 : vector<16xf32>
        %add3A_735 = arith.addf %broadcast_in_dim3A_722, %mul3A_734 : vector<16xf32>
        %get3A_736 = arith.index_cast %scan3A_720 : i32 to index
        %get3A_737 = arith.constant 16 : index
        %get3A_738 = tpu.vector_load %arg15[%get3A_736, %get3A_737] {strides = array<i32>} : memref<128x128xf32, #tpu.memory_space<vmem>>, vector<16xf32>,
        %get3A_739 = arith.index_cast %scan3A_720 : i32 to index
        %get3A_740 = arith.constant 16 : index
        %get3A_741 = tpu.vector_load %arg16[%get3A_739, %get3A_740] {strides = array<i32>} : memref<128x128xf32, #tpu.memory_space<vmem>>, vector<16xf32>,
        %add3A_742 = arith.addf %get3A_738, %get3A_741 : vector<16xf32>
        %mul3A_743 = arith.constant 2.000000e-01 : f32
        %mul3A_744 = vector.broadcast %mul3A_743 : f32 to vector<16xf32>
        %mul3A_745 = arith.mulf %mul3A_744, %add3A_742 : vector<16xf32>
        %max3A_746 = arith.maximumf %add3A_742, %mul3A_745 : vector<16xf32>
        %mul3A_747 = arith.mulf %get3A_22, %max3A_746 : vector<16xf32>
        %add3A_748 = arith.addf %add3A_735, %mul3A_747 : vector<16xf32>
        %get3A_749 = arith.index_cast %scan3A_720 : i32 to index
        %get3A_750 = arith.constant 32 : index
        %get3A_751 = tpu.vector_load %arg15[%get3A_749, %get3A_750] {strides = array<i32>} : memref<128x128xf32, #tpu.memory_space<vmem>>, vector<16xf32>,
        %get3A_752 = arith.index_cast %scan3A_720 : i32 to index
        %get3A_753 = arith.constant 32 : index
        %get3A_754 = tpu.vector_load %arg16[%get3A_752, %get3A_753] {strides = array<i32>} : memref<128x128xf32, #tpu.memory_space<vmem>>, vector<16xf32>,
        %add3A_755 = arith.addf %get3A_751, %get3A_754 : vector<16xf32>
        %mul3A_756 = arith.constant 2.000000e-01 : f32
        %mul3A_757 = vector.broadcast %mul3A_756 : f32 to vector<16xf32>
        %mul3A_758 = arith.mulf %mul3A_757, %add3A_755 : vector<16xf32>
        %max3A_759 = arith.maximumf %add3A_755, %mul3A_758 : vector<16xf32>
        %mul3A_760 = arith.mulf %get3A_24, %max3A_759 : vector<16xf32>
        %add3A_761 = arith.addf %add3A_748, %mul3A_760 : vector<16xf32>
        %get3A_762 = arith.index_cast %scan3A_720 : i32 to index
        %get3A_763 = arith.constant 48 : index
        %get3A_764 = tpu.vector_load %arg15[%get3A_762, %get3A_763] {strides = array<i32>} : memref<128x128xf32, #tpu.memory_space<vmem>>, vector<16xf32>,
        %get3A_765 = arith.index_cast %scan3A_720 : i32 to index
        %get3A_766 = arith.constant 48 : index
        %get3A_767 = tpu.vector_load %arg16[%get3A_765, %get3A_766] {strides = array<i32>} : memref<128x128xf32, #tpu.memory_space<vmem>>, vector<16xf32>,
        %add3A_768 = arith.addf %get3A_764, %get3A_767 : vector<16xf32>
        %mul3A_769 = arith.constant 2.000000e-01 : f32
        %mul3A_770 = vector.broadcast %mul3A_769 : f32 to vector<16xf32>
        %mul3A_771 = arith.mulf %mul3A_770, %add3A_768 : vector<16xf32>
        %max3A_772 = arith.maximumf %add3A_768, %mul3A_771 : vector<16xf32>
        %mul3A_773 = arith.mulf %get3A_26, %max3A_772 : vector<16xf32>
        %add3A_774 = arith.addf %add3A_761, %mul3A_773 : vector<16xf32>
        %get3A_775 = arith.index_cast %scan3A_720 : i32 to index
        %get3A_776 = arith.constant 64 : index
        %get3A_777 = tpu.vector_load %arg15[%get3A_775, %get3A_776] {strides = array<i32>} : memref<128x128xf32, #tpu.memory_space<vmem>>, vector<16xf32>,
        %get3A_778 = arith.index_cast %scan3A_720 : i32 to index
        %get3A_779 = arith.constant 64 : index
        %get3A_780 = tpu.vector_load %arg16[%get3A_778, %get3A_779] {strides = array<i32>} : memref<128x128xf32, #tpu.memory_space<vmem>>, vector<16xf32>,
        %add3A_781 = arith.addf %get3A_777, %get3A_780 : vector<16xf32>
        %mul3A_782 = arith.constant 2.000000e-01 : f32
        %mul3A_783 = vector.broadcast %mul3A_782 : f32 to vector<16xf32>
        %mul3A_784 = arith.mulf %mul3A_783, %add3A_781 : vector<16xf32>
        %max3A_785 = arith.maximumf %add3A_781, %mul3A_784 : vector<16xf32>
        %mul3A_786 = arith.mulf %get3A_28, %max3A_785 : vector<16xf32>
        %add3A_787 = arith.addf %add3A_774, %mul3A_786 : vector<16xf32>
        %get3A_788 = arith.index_cast %scan3A_720 : i32 to index
        %get3A_789 = arith.constant 80 : index
        %get3A_790 = tpu.vector_load %arg15[%get3A_788, %get3A_789] {strides = array<i32>} : memref<128x128xf32, #tpu.memory_space<vmem>>, vector<16xf32>,
        %get3A_791 = arith.index_cast %scan3A_720 : i32 to index
        %get3A_792 = arith.constant 80 : index
        %get3A_793 = tpu.vector_load %arg16[%get3A_791, %get3A_792] {strides = array<i32>} : memref<128x128xf32, #tpu.memory_space<vmem>>, vector<16xf32>,
        %add3A_794 = arith.addf %get3A_790, %get3A_793 : vector<16xf32>
        %mul3A_795 = arith.constant 2.000000e-01 : f32
        %mul3A_796 = vector.broadcast %mul3A_795 : f32 to vector<16xf32>
        %mul3A_797 = arith.mulf %mul3A_796, %add3A_794 : vector<16xf32>
        %max3A_798 = arith.maximumf %add3A_794, %mul3A_797 : vector<16xf32>
        %mul3A_799 = arith.mulf %get3A_30, %max3A_798 : vector<16xf32>
        %add3A_800 = arith.addf %add3A_787, %mul3A_799 : vector<16xf32>
        %get3A_801 = arith.index_cast %scan3A_720 : i32 to index
        %get3A_802 = arith.constant 96 : index
        %get3A_803 = tpu.vector_load %arg15[%get3A_801, %get3A_802] {strides = array<i32>} : memref<128x128xf32, #tpu.memory_space<vmem>>, vector<16xf32>,
        %get3A_804 = arith.index_cast %scan3A_720 : i32 to index
        %get3A_805 = arith.constant 96 : index
        %get3A_806 = tpu.vector_load %arg16[%get3A_804, %get3A_805] {strides = array<i32>} : memref<128x128xf32, #tpu.memory_space<vmem>>, vector<16xf32>,
        %add3A_807 = arith.addf %get3A_803, %get3A_806 : vector<16xf32>
        %mul3A_808 = arith.constant 2.000000e-01 : f32
        %mul3A_809 = vector.broadcast %mul3A_808 : f32 to vector<16xf32>
        %mul3A_810 = arith.mulf %mul3A_809, %add3A_807 : vector<16xf32>
        %max3A_811 = arith.maximumf %add3A_807, %mul3A_810 : vector<16xf32>
        %mul3A_812 = arith.mulf %get3A_32, %max3A_811 : vector<16xf32>
        %add3A_813 = arith.addf %add3A_800, %mul3A_812 : vector<16xf32>
        %get3A_814 = arith.index_cast %scan3A_720 : i32 to index
        %get3A_815 = arith.constant 112 : index
        %get3A_816 = tpu.vector_load %arg15[%get3A_814, %get3A_815] {strides = array<i32>} : memref<128x128xf32, #tpu.memory_space<vmem>>, vector<16xf32>,
        %get3A_817 = arith.index_cast %scan3A_720 : i32 to index
        %get3A_818 = arith.constant 112 : index
        %get3A_819 = tpu.vector_load %arg16[%get3A_817, %get3A_818] {strides = array<i32>} : memref<128x128xf32, #tpu.memory_space<vmem>>, vector<16xf32>,
        %add3A_820 = arith.addf %get3A_816, %get3A_819 : vector<16xf32>
        %mul3A_821 = arith.constant 2.000000e-01 : f32
        %mul3A_822 = vector.broadcast %mul3A_821 : f32 to vector<16xf32>
        %mul3A_823 = arith.mulf %mul3A_822, %add3A_820 : vector<16xf32>
        %max3A_824 = arith.maximumf %add3A_820, %mul3A_823 : vector<16xf32>
        %mul3A_825 = arith.mulf %get3A_34, %max3A_824 : vector<16xf32>
        %add3A_826 = arith.addf %add3A_813, %mul3A_825 : vector<16xf32>
        %reduce_sum3A_827 = arith.constant true
        %reduce_sum3A_828 = vector.broadcast %reduce_sum3A_827 : i1 to vector<16xi1>
        %reduce_sum3A_829 = tpu.scan <sum>, %add3A_826 masked %reduce_sum3A_828 : vector<16xf32>, vector<16xi1> -> vector<16xf32>
        %reduce_sum3A_830 = vector.extract %reduce_sum3A_829[15] : f32 from vector<16xf32>
        %broadcast_in_dim3A_831 = arith.constant 1.000000e+00 : f32
        %broadcast_in_dim3A_832 = vector.broadcast %broadcast_in_dim3A_831 : f32 to vector<16xf32>
        %mul3A_833 = vector.broadcast %reduce_sum3A_830 : f32 to vector<16xf32>
        %mul3A_834 = arith.mulf %broadcast_in_dim3A_832, %mul3A_833 : vector<16xf32>
        %exp3A_835 = math.exp %mul3A_834 : vector<16xf32>
        %mul3A_836 = arith.mulf %get3A_725, %exp3A_835 : vector<16xf32>
        %swap3A_837 = arith.index_cast %scan3A_720 : i32 to index
        %swap3A_838 = arith.constant 0 : index
        %swap3A_839 = tpu.vector_load %arg17[%swap3A_837, %swap3A_838] {strides = array<i32>} : memref<128x128xf32, #tpu.memory_space<vmem>>, vector<16xf32>,
        tpu.vector_store %arg17[%swap3A_837, %swap3A_838], %mul3A_836 {strides = array<i32>} : memref<128x128xf32, #tpu.memory_space<vmem>>, vector<16xf32>,
        %mul3A_840 = arith.mulf %get3A_738, %exp3A_835 : vector<16xf32>
        %swap3A_841 = arith.index_cast %scan3A_720 : i32 to index
        %swap3A_842 = arith.constant 16 : index
        %swap3A_843 = tpu.vector_load %arg17[%swap3A_841, %swap3A_842] {strides = array<i32>} : memref<128x128xf32, #tpu.memory_space<vmem>>, vector<16xf32>,
        tpu.vector_store %arg17[%swap3A_841, %swap3A_842], %mul3A_840 {strides = array<i32>} : memref<128x128xf32, #tpu.memory_space<vmem>>, vector<16xf32>,
        %mul3A_844 = arith.mulf %get3A_751, %exp3A_835 : vector<16xf32>
        %swap3A_845 = arith.index_cast %scan3A_720 : i32 to index
        %swap3A_846 = arith.constant 32 : index
        %swap3A_847 = tpu.vector_load %arg17[%swap3A_845, %swap3A_846] {strides = array<i32>} : memref<128x128xf32, #tpu.memory_space<vmem>>, vector<16xf32>,
        tpu.vector_store %arg17[%swap3A_845, %swap3A_846], %mul3A_844 {strides = array<i32>} : memref<128x128xf32, #tpu.memory_space<vmem>>, vector<16xf32>,
        %mul3A_848 = arith.mulf %get3A_764, %exp3A_835 : vector<16xf32>
        %swap3A_849 = arith.index_cast %scan3A_720 : i32 to index
        %swap3A_850 = arith.constant 48 : index
        %swap3A_851 = tpu.vector_load %arg17[%swap3A_849, %swap3A_850] {strides = array<i32>} : memref<128x128xf32, #tpu.memory_space<vmem>>, vector<16xf32>,
        tpu.vector_store %arg17[%swap3A_849, %swap3A_850], %mul3A_848 {strides = array<i32>} : memref<128x128xf32, #tpu.memory_space<vmem>>, vector<16xf32>,
        %mul3A_852 = arith.mulf %get3A_777, %exp3A_835 : vector<16xf32>
        %swap3A_853 = arith.index_cast %scan3A_720 : i32 to index
        %swap3A_854 = arith.constant 64 : index
        %swap3A_855 = tpu.vector_load %arg17[%swap3A_853, %swap3A_854] {strides = array<i32>} : memref<128x128xf32, #tpu.memory_space<vmem>>, vector<16xf32>,
        tpu.vector_store %arg17[%swap3A_853, %swap3A_854], %mul3A_852 {strides = array<i32>} : memref<128x128xf32, #tpu.memory_space<vmem>>, vector<16xf32>,
        %mul3A_856 = arith.mulf %get3A_790, %exp3A_835 : vector<16xf32>
        %swap3A_857 = arith.index_cast %scan3A_720 : i32 to index
        %swap3A_858 = arith.constant 80 : index
        %swap3A_859 = tpu.vector_load %arg17[%swap3A_857, %swap3A_858] {strides = array<i32>} : memref<128x128xf32, #tpu.memory_space<vmem>>, vector<16xf32>,
        tpu.vector_store %arg17[%swap3A_857, %swap3A_858], %mul3A_856 {strides = array<i32>} : memref<128x128xf32, #tpu.memory_space<vmem>>, vector<16xf32>,
        %mul3A_860 = arith.mulf %get3A_803, %exp3A_835 : vector<16xf32>
        %swap3A_861 = arith.index_cast %scan3A_720 : i32 to index
        %swap3A_862 = arith.constant 96 : index
        %swap3A_863 = tpu.vector_load %arg17[%swap3A_861, %swap3A_862] {strides = array<i32>} : memref<128x128xf32, #tpu.memory_space<vmem>>, vector<16xf32>,
        tpu.vector_store %arg17[%swap3A_861, %swap3A_862], %mul3A_860 {strides = array<i32>} : memref<128x128xf32, #tpu.memory_space<vmem>>, vector<16xf32>,
        %mul3A_864 = arith.mulf %get3A_816, %exp3A_835 : vector<16xf32>
        %swap3A_865 = arith.index_cast %scan3A_720 : i32 to index
        %swap3A_866 = arith.constant 112 : index
        %swap3A_867 = tpu.vector_load %arg17[%swap3A_865, %swap3A_866] {strides = array<i32>} : memref<128x128xf32, #tpu.memory_space<vmem>>, vector<16xf32>,
        tpu.vector_store %arg17[%swap3A_865, %swap3A_866], %mul3A_864 {strides = array<i32>} : memref<128x128xf32, #tpu.memory_space<vmem>>, vector<16xf32>,
        %get3A_868 = arith.index_cast %scan3A_720 : i32 to index
        %get3A_869 = tpu.vector_load %arg12[%get3A_868] {strides = array<i32>} : memref<144xi32, #tpu.memory_space<vmem>>, vector<16xi32>,
        %slice3A_870 = vector.extract_strided_slice %get3A_869 {offsets = [0], sizes = [1], strides = [1]} : vector<16xi32> to vector<1xi32>
        %squeeze3A_871 = vector.extract %slice3A_870[0] : i32 from vector<1xi32>
        %rem3A_872 = arith.constant 8 : i32
        %rem3A_873 = arith.remsi %squeeze3A_871, %rem3A_872 : i32
        %mul3A_874 = arith.constant 16 : i32
        %mul3A_875 = arith.muli %rem3A_873, %mul3A_874 : i32
        %swap3A_876 = arith.index_cast %scan3A_720 : i32 to index
        %swap3A_877 = arith.constant 0 : index
        %swap3A_878 = tpu.vector_load %arg18[%swap3A_876, %swap3A_877] {strides = array<i32>} : memref<128x128xf32, #tpu.memory_space<vmem>>, vector<16xf32>,
        tpu.vector_store %arg18[%swap3A_876, %swap3A_877], %broadcast_in_dim3A_0 {strides = array<i32>} : memref<128x128xf32, #tpu.memory_space<vmem>>, vector<16xf32>,
        %swap3A_879 = arith.index_cast %scan3A_720 : i32 to index
        %swap3A_880 = arith.constant 16 : index
        %swap3A_881 = tpu.vector_load %arg18[%swap3A_879, %swap3A_880] {strides = array<i32>} : memref<128x128xf32, #tpu.memory_space<vmem>>, vector<16xf32>,
        tpu.vector_store %arg18[%swap3A_879, %swap3A_880], %broadcast_in_dim3A_0 {strides = array<i32>} : memref<128x128xf32, #tpu.memory_space<vmem>>, vector<16xf32>,
        %swap3A_882 = arith.index_cast %scan3A_720 : i32 to index
        %swap3A_883 = arith.constant 32 : index
        %swap3A_884 = tpu.vector_load %arg18[%swap3A_882, %swap3A_883] {strides = array<i32>} : memref<128x128xf32, #tpu.memory_space<vmem>>, vector<16xf32>,
        tpu.vector_store %arg18[%swap3A_882, %swap3A_883], %broadcast_in_dim3A_0 {strides = array<i32>} : memref<128x128xf32, #tpu.memory_space<vmem>>, vector<16xf32>,
        %swap3A_885 = arith.index_cast %scan3A_720 : i32 to index
        %swap3A_886 = arith.constant 48 : index
        %swap3A_887 = tpu.vector_load %arg18[%swap3A_885, %swap3A_886] {strides = array<i32>} : memref<128x128xf32, #tpu.memory_space<vmem>>, vector<16xf32>,
        tpu.vector_store %arg18[%swap3A_885, %swap3A_886], %broadcast_in_dim3A_0 {strides = array<i32>} : memref<128x128xf32, #tpu.memory_space<vmem>>, vector<16xf32>,
        %swap3A_888 = arith.index_cast %scan3A_720 : i32 to index
        %swap3A_889 = arith.constant 64 : index
        %swap3A_890 = tpu.vector_load %arg18[%swap3A_888, %swap3A_889] {strides = array<i32>} : memref<128x128xf32, #tpu.memory_space<vmem>>, vector<16xf32>,
        tpu.vector_store %arg18[%swap3A_888, %swap3A_889], %broadcast_in_dim3A_0 {strides = array<i32>} : memref<128x128xf32, #tpu.memory_space<vmem>>, vector<16xf32>,
        %swap3A_891 = arith.index_cast %scan3A_720 : i32 to index
        %swap3A_892 = arith.constant 80 : index
        %swap3A_893 = tpu.vector_load %arg18[%swap3A_891, %swap3A_892] {strides = array<i32>} : memref<128x128xf32, #tpu.memory_space<vmem>>, vector<16xf32>,
        tpu.vector_store %arg18[%swap3A_891, %swap3A_892], %broadcast_in_dim3A_0 {strides = array<i32>} : memref<128x128xf32, #tpu.memory_space<vmem>>, vector<16xf32>,
        %swap3A_894 = arith.index_cast %scan3A_720 : i32 to index
        %swap3A_895 = arith.constant 96 : index
        %swap3A_896 = tpu.vector_load %arg18[%swap3A_894, %swap3A_895] {strides = array<i32>} : memref<128x128xf32, #tpu.memory_space<vmem>>, vector<16xf32>,
        tpu.vector_store %arg18[%swap3A_894, %swap3A_895], %broadcast_in_dim3A_0 {strides = array<i32>} : memref<128x128xf32, #tpu.memory_space<vmem>>, vector<16xf32>,
        %swap3A_897 = arith.index_cast %scan3A_720 : i32 to index
        %swap3A_898 = arith.constant 112 : index
        %swap3A_899 = tpu.vector_load %arg18[%swap3A_897, %swap3A_898] {strides = array<i32>} : memref<128x128xf32, #tpu.memory_space<vmem>>, vector<16xf32>,
        tpu.vector_store %arg18[%swap3A_897, %swap3A_898], %broadcast_in_dim3A_0 {strides = array<i32>} : memref<128x128xf32, #tpu.memory_space<vmem>>, vector<16xf32>,
        %eq3A_900 = arith.constant 0 : i32
        %eq3A_901 = vector.broadcast %eq3A_900 : i32 to vector<16xi32>
        %eq3A_902 = arith.cmpi eq, %iota3A, %eq3A_901 : vector<16xi32>
        %select_n3A_903 = arith.select %eq3A_902, %exp3A_835, %broadcast_in_dim3A_0 : vector<16xi1>, vector<16xf32>
        %swap3A_904 = arith.index_cast %scan3A_720 : i32 to index
        %swap3A_905 = arith.index_cast %mul3A_875 : i32 to index
        %swap3A_906 = tpu.vector_load %arg18[%swap3A_904, %swap3A_905] {strides = array<i32>} : memref<128x128xf32, #tpu.memory_space<vmem>>, vector<16xf32>,
        tpu.vector_store %arg18[%swap3A_904, %swap3A_905], %select_n3A_903 {strides = array<i32>} : memref<128x128xf32, #tpu.memory_space<vmem>>, vector<16xf32>,
        %scan3A_907 = arith.constant 3 : i32
        %scan3A_908 = arith.addi %scan3A_350, %scan3A_907 : i32
        %broadcast_in_dim3A_909 = arith.constant 0.000000e+00 : f32
        %broadcast_in_dim3A_910 = vector.broadcast %broadcast_in_dim3A_909 : f32 to vector<16xf32>
        %get3A_911 = arith.index_cast %scan3A_908 : i32 to index
        %get3A_912 = arith.constant 0 : index
        %get3A_913 = tpu.vector_load %arg15[%get3A_911, %get3A_912] {strides = array<i32>} : memref<128x128xf32, #tpu.memory_space<vmem>>, vector<16xf32>,
        %get3A_914 = arith.index_cast %scan3A_908 : i32 to index
        %get3A_915 = arith.constant 0 : index
        %get3A_916 = tpu.vector_load %arg16[%get3A_914, %get3A_915] {strides = array<i32>} : memref<128x128xf32, #tpu.memory_space<vmem>>, vector<16xf32>,
        %add3A_917 = arith.addf %get3A_913, %get3A_916 : vector<16xf32>
        %mul3A_918 = arith.constant 2.000000e-01 : f32
        %mul3A_919 = vector.broadcast %mul3A_918 : f32 to vector<16xf32>
        %mul3A_920 = arith.mulf %mul3A_919, %add3A_917 : vector<16xf32>
        %max3A_921 = arith.maximumf %add3A_917, %mul3A_920 : vector<16xf32>
        %mul3A_922 = arith.mulf %get3A_20, %max3A_921 : vector<16xf32>
        %add3A_923 = arith.addf %broadcast_in_dim3A_910, %mul3A_922 : vector<16xf32>
        %get3A_924 = arith.index_cast %scan3A_908 : i32 to index
        %get3A_925 = arith.constant 16 : index
        %get3A_926 = tpu.vector_load %arg15[%get3A_924, %get3A_925] {strides = array<i32>} : memref<128x128xf32, #tpu.memory_space<vmem>>, vector<16xf32>,
        %get3A_927 = arith.index_cast %scan3A_908 : i32 to index
        %get3A_928 = arith.constant 16 : index
        %get3A_929 = tpu.vector_load %arg16[%get3A_927, %get3A_928] {strides = array<i32>} : memref<128x128xf32, #tpu.memory_space<vmem>>, vector<16xf32>,
        %add3A_930 = arith.addf %get3A_926, %get3A_929 : vector<16xf32>
        %mul3A_931 = arith.constant 2.000000e-01 : f32
        %mul3A_932 = vector.broadcast %mul3A_931 : f32 to vector<16xf32>
        %mul3A_933 = arith.mulf %mul3A_932, %add3A_930 : vector<16xf32>
        %max3A_934 = arith.maximumf %add3A_930, %mul3A_933 : vector<16xf32>
        %mul3A_935 = arith.mulf %get3A_22, %max3A_934 : vector<16xf32>
        %add3A_936 = arith.addf %add3A_923, %mul3A_935 : vector<16xf32>
        %get3A_937 = arith.index_cast %scan3A_908 : i32 to index
        %get3A_938 = arith.constant 32 : index
        %get3A_939 = tpu.vector_load %arg15[%get3A_937, %get3A_938] {strides = array<i32>} : memref<128x128xf32, #tpu.memory_space<vmem>>, vector<16xf32>,
        %get3A_940 = arith.index_cast %scan3A_908 : i32 to index
        %get3A_941 = arith.constant 32 : index
        %get3A_942 = tpu.vector_load %arg16[%get3A_940, %get3A_941] {strides = array<i32>} : memref<128x128xf32, #tpu.memory_space<vmem>>, vector<16xf32>,
        %add3A_943 = arith.addf %get3A_939, %get3A_942 : vector<16xf32>
        %mul3A_944 = arith.constant 2.000000e-01 : f32
        %mul3A_945 = vector.broadcast %mul3A_944 : f32 to vector<16xf32>
        %mul3A_946 = arith.mulf %mul3A_945, %add3A_943 : vector<16xf32>
        %max3A_947 = arith.maximumf %add3A_943, %mul3A_946 : vector<16xf32>
        %mul3A_948 = arith.mulf %get3A_24, %max3A_947 : vector<16xf32>
        %add3A_949 = arith.addf %add3A_936, %mul3A_948 : vector<16xf32>
        %get3A_950 = arith.index_cast %scan3A_908 : i32 to index
        %get3A_951 = arith.constant 48 : index
        %get3A_952 = tpu.vector_load %arg15[%get3A_950, %get3A_951] {strides = array<i32>} : memref<128x128xf32, #tpu.memory_space<vmem>>, vector<16xf32>,
        %get3A_953 = arith.index_cast %scan3A_908 : i32 to index
        %get3A_954 = arith.constant 48 : index
        %get3A_955 = tpu.vector_load %arg16[%get3A_953, %get3A_954] {strides = array<i32>} : memref<128x128xf32, #tpu.memory_space<vmem>>, vector<16xf32>,
        %add3A_956 = arith.addf %get3A_952, %get3A_955 : vector<16xf32>
        %mul3A_957 = arith.constant 2.000000e-01 : f32
        %mul3A_958 = vector.broadcast %mul3A_957 : f32 to vector<16xf32>
        %mul3A_959 = arith.mulf %mul3A_958, %add3A_956 : vector<16xf32>
        %max3A_960 = arith.maximumf %add3A_956, %mul3A_959 : vector<16xf32>
        %mul3A_961 = arith.mulf %get3A_26, %max3A_960 : vector<16xf32>
        %add3A_962 = arith.addf %add3A_949, %mul3A_961 : vector<16xf32>
        %get3A_963 = arith.index_cast %scan3A_908 : i32 to index
        %get3A_964 = arith.constant 64 : index
        %get3A_965 = tpu.vector_load %arg15[%get3A_963, %get3A_964] {strides = array<i32>} : memref<128x128xf32, #tpu.memory_space<vmem>>, vector<16xf32>,
        %get3A_966 = arith.index_cast %scan3A_908 : i32 to index
        %get3A_967 = arith.constant 64 : index
        %get3A_968 = tpu.vector_load %arg16[%get3A_966, %get3A_967] {strides = array<i32>} : memref<128x128xf32, #tpu.memory_space<vmem>>, vector<16xf32>,
        %add3A_969 = arith.addf %get3A_965, %get3A_968 : vector<16xf32>
        %mul3A_970 = arith.constant 2.000000e-01 : f32
        %mul3A_971 = vector.broadcast %mul3A_970 : f32 to vector<16xf32>
        %mul3A_972 = arith.mulf %mul3A_971, %add3A_969 : vector<16xf32>
        %max3A_973 = arith.maximumf %add3A_969, %mul3A_972 : vector<16xf32>
        %mul3A_974 = arith.mulf %get3A_28, %max3A_973 : vector<16xf32>
        %add3A_975 = arith.addf %add3A_962, %mul3A_974 : vector<16xf32>
        %get3A_976 = arith.index_cast %scan3A_908 : i32 to index
        %get3A_977 = arith.constant 80 : index
        %get3A_978 = tpu.vector_load %arg15[%get3A_976, %get3A_977] {strides = array<i32>} : memref<128x128xf32, #tpu.memory_space<vmem>>, vector<16xf32>,
        %get3A_979 = arith.index_cast %scan3A_908 : i32 to index
        %get3A_980 = arith.constant 80 : index
        %get3A_981 = tpu.vector_load %arg16[%get3A_979, %get3A_980] {strides = array<i32>} : memref<128x128xf32, #tpu.memory_space<vmem>>, vector<16xf32>,
        %add3A_982 = arith.addf %get3A_978, %get3A_981 : vector<16xf32>
        %mul3A_983 = arith.constant 2.000000e-01 : f32
        %mul3A_984 = vector.broadcast %mul3A_983 : f32 to vector<16xf32>
        %mul3A_985 = arith.mulf %mul3A_984, %add3A_982 : vector<16xf32>
        %max3A_986 = arith.maximumf %add3A_982, %mul3A_985 : vector<16xf32>
        %mul3A_987 = arith.mulf %get3A_30, %max3A_986 : vector<16xf32>
        %add3A_988 = arith.addf %add3A_975, %mul3A_987 : vector<16xf32>
        %get3A_989 = arith.index_cast %scan3A_908 : i32 to index
        %get3A_990 = arith.constant 96 : index
        %get3A_991 = tpu.vector_load %arg15[%get3A_989, %get3A_990] {strides = array<i32>} : memref<128x128xf32, #tpu.memory_space<vmem>>, vector<16xf32>,
        %get3A_992 = arith.index_cast %scan3A_908 : i32 to index
        %get3A_993 = arith.constant 96 : index
        %get3A_994 = tpu.vector_load %arg16[%get3A_992, %get3A_993] {strides = array<i32>} : memref<128x128xf32, #tpu.memory_space<vmem>>, vector<16xf32>,
        %add3A_995 = arith.addf %get3A_991, %get3A_994 : vector<16xf32>
        %mul3A_996 = arith.constant 2.000000e-01 : f32
        %mul3A_997 = vector.broadcast %mul3A_996 : f32 to vector<16xf32>
        %mul3A_998 = arith.mulf %mul3A_997, %add3A_995 : vector<16xf32>
        %max3A_999 = arith.maximumf %add3A_995, %mul3A_998 : vector<16xf32>
        %mul3A_1000 = arith.mulf %get3A_32, %max3A_999 : vector<16xf32>
        %add3A_1001 = arith.addf %add3A_988, %mul3A_1000 : vector<16xf32>
        %get3A_1002 = arith.index_cast %scan3A_908 : i32 to index
        %get3A_1003 = arith.constant 112 : index
        %get3A_1004 = tpu.vector_load %arg15[%get3A_1002, %get3A_1003] {strides = array<i32>} : memref<128x128xf32, #tpu.memory_space<vmem>>, vector<16xf32>,
        %get3A_1005 = arith.index_cast %scan3A_908 : i32 to index
        %get3A_1006 = arith.constant 112 : index
        %get3A_1007 = tpu.vector_load %arg16[%get3A_1005, %get3A_1006] {strides = array<i32>} : memref<128x128xf32, #tpu.memory_space<vmem>>, vector<16xf32>,
        %add3A_1008 = arith.addf %get3A_1004, %get3A_1007 : vector<16xf32>
        %mul3A_1009 = arith.constant 2.000000e-01 : f32
        %mul3A_1010 = vector.broadcast %mul3A_1009 : f32 to vector<16xf32>
        %mul3A_1011 = arith.mulf %mul3A_1010, %add3A_1008 : vector<16xf32>
        %max3A_1012 = arith.maximumf %add3A_1008, %mul3A_1011 : vector<16xf32>
        %mul3A_1013 = arith.mulf %get3A_34, %max3A_1012 : vector<16xf32>
        %add3A_1014 = arith.addf %add3A_1001, %mul3A_1013 : vector<16xf32>
        %reduce_sum3A_1015 = arith.constant true
        %reduce_sum3A_1016 = vector.broadcast %reduce_sum3A_1015 : i1 to vector<16xi1>
        %reduce_sum3A_1017 = tpu.scan <sum>, %add3A_1014 masked %reduce_sum3A_1016 : vector<16xf32>, vector<16xi1> -> vector<16xf32>
        %reduce_sum3A_1018 = vector.extract %reduce_sum3A_1017[15] : f32 from vector<16xf32>
        %broadcast_in_dim3A_1019 = arith.constant 1.000000e+00 : f32
        %broadcast_in_dim3A_1020 = vector.broadcast %broadcast_in_dim3A_1019 : f32 to vector<16xf32>
        %mul3A_1021 = vector.broadcast %reduce_sum3A_1018 : f32 to vector<16xf32>
        %mul3A_1022 = arith.mulf %broadcast_in_dim3A_1020, %mul3A_1021 : vector<16xf32>
        %exp3A_1023 = math.exp %mul3A_1022 : vector<16xf32>
        %mul3A_1024 = arith.mulf %get3A_913, %exp3A_1023 : vector<16xf32>
        %swap3A_1025 = arith.index_cast %scan3A_908 : i32 to index
        %swap3A_1026 = arith.constant 0 : index
        %swap3A_1027 = tpu.vector_load %arg17[%swap3A_1025, %swap3A_1026] {strides = array<i32>} : memref<128x128xf32, #tpu.memory_space<vmem>>, vector<16xf32>,
        tpu.vector_store %arg17[%swap3A_1025, %swap3A_1026], %mul3A_1024 {strides = array<i32>} : memref<128x128xf32, #tpu.memory_space<vmem>>, vector<16xf32>,
        %mul3A_1028 = arith.mulf %get3A_926, %exp3A_1023 : vector<16xf32>
        %swap3A_1029 = arith.index_cast %scan3A_908 : i32 to index
        %swap3A_1030 = arith.constant 16 : index
        %swap3A_1031 = tpu.vector_load %arg17[%swap3A_1029, %swap3A_1030] {strides = array<i32>} : memref<128x128xf32, #tpu.memory_space<vmem>>, vector<16xf32>,
        tpu.vector_store %arg17[%swap3A_1029, %swap3A_1030], %mul3A_1028 {strides = array<i32>} : memref<128x128xf32, #tpu.memory_space<vmem>>, vector<16xf32>,
        %mul3A_1032 = arith.mulf %get3A_939, %exp3A_1023 : vector<16xf32>
        %swap3A_1033 = arith.index_cast %scan3A_908 : i32 to index
        %swap3A_1034 = arith.constant 32 : index
        %swap3A_1035 = tpu.vector_load %arg17[%swap3A_1033, %swap3A_1034] {strides = array<i32>} : memref<128x128xf32, #tpu.memory_space<vmem>>, vector<16xf32>,
        tpu.vector_store %arg17[%swap3A_1033, %swap3A_1034], %mul3A_1032 {strides = array<i32>} : memref<128x128xf32, #tpu.memory_space<vmem>>, vector<16xf32>,
        %mul3A_1036 = arith.mulf %get3A_952, %exp3A_1023 : vector<16xf32>
        %swap3A_1037 = arith.index_cast %scan3A_908 : i32 to index
        %swap3A_1038 = arith.constant 48 : index
        %swap3A_1039 = tpu.vector_load %arg17[%swap3A_1037, %swap3A_1038] {strides = array<i32>} : memref<128x128xf32, #tpu.memory_space<vmem>>, vector<16xf32>,
        tpu.vector_store %arg17[%swap3A_1037, %swap3A_1038], %mul3A_1036 {strides = array<i32>} : memref<128x128xf32, #tpu.memory_space<vmem>>, vector<16xf32>,
        %mul3A_1040 = arith.mulf %get3A_965, %exp3A_1023 : vector<16xf32>
        %swap3A_1041 = arith.index_cast %scan3A_908 : i32 to index
        %swap3A_1042 = arith.constant 64 : index
        %swap3A_1043 = tpu.vector_load %arg17[%swap3A_1041, %swap3A_1042] {strides = array<i32>} : memref<128x128xf32, #tpu.memory_space<vmem>>, vector<16xf32>,
        tpu.vector_store %arg17[%swap3A_1041, %swap3A_1042], %mul3A_1040 {strides = array<i32>} : memref<128x128xf32, #tpu.memory_space<vmem>>, vector<16xf32>,
        %mul3A_1044 = arith.mulf %get3A_978, %exp3A_1023 : vector<16xf32>
        %swap3A_1045 = arith.index_cast %scan3A_908 : i32 to index
        %swap3A_1046 = arith.constant 80 : index
        %swap3A_1047 = tpu.vector_load %arg17[%swap3A_1045, %swap3A_1046] {strides = array<i32>} : memref<128x128xf32, #tpu.memory_space<vmem>>, vector<16xf32>,
        tpu.vector_store %arg17[%swap3A_1045, %swap3A_1046], %mul3A_1044 {strides = array<i32>} : memref<128x128xf32, #tpu.memory_space<vmem>>, vector<16xf32>,
        %mul3A_1048 = arith.mulf %get3A_991, %exp3A_1023 : vector<16xf32>
        %swap3A_1049 = arith.index_cast %scan3A_908 : i32 to index
        %swap3A_1050 = arith.constant 96 : index
        %swap3A_1051 = tpu.vector_load %arg17[%swap3A_1049, %swap3A_1050] {strides = array<i32>} : memref<128x128xf32, #tpu.memory_space<vmem>>, vector<16xf32>,
        tpu.vector_store %arg17[%swap3A_1049, %swap3A_1050], %mul3A_1048 {strides = array<i32>} : memref<128x128xf32, #tpu.memory_space<vmem>>, vector<16xf32>,
        %mul3A_1052 = arith.mulf %get3A_1004, %exp3A_1023 : vector<16xf32>
        %swap3A_1053 = arith.index_cast %scan3A_908 : i32 to index
        %swap3A_1054 = arith.constant 112 : index
        %swap3A_1055 = tpu.vector_load %arg17[%swap3A_1053, %swap3A_1054] {strides = array<i32>} : memref<128x128xf32, #tpu.memory_space<vmem>>, vector<16xf32>,
        tpu.vector_store %arg17[%swap3A_1053, %swap3A_1054], %mul3A_1052 {strides = array<i32>} : memref<128x128xf32, #tpu.memory_space<vmem>>, vector<16xf32>,
        %get3A_1056 = arith.index_cast %scan3A_908 : i32 to index
        %get3A_1057 = tpu.vector_load %arg12[%get3A_1056] {strides = array<i32>} : memref<144xi32, #tpu.memory_space<vmem>>, vector<16xi32>,
        %slice3A_1058 = vector.extract_strided_slice %get3A_1057 {offsets = [0], sizes = [1], strides = [1]} : vector<16xi32> to vector<1xi32>
        %squeeze3A_1059 = vector.extract %slice3A_1058[0] : i32 from vector<1xi32>
        %rem3A_1060 = arith.constant 8 : i32
        %rem3A_1061 = arith.remsi %squeeze3A_1059, %rem3A_1060 : i32
        %mul3A_1062 = arith.constant 16 : i32
        %mul3A_1063 = arith.muli %rem3A_1061, %mul3A_1062 : i32
        %swap3A_1064 = arith.index_cast %scan3A_908 : i32 to index
        %swap3A_1065 = arith.constant 0 : index
        %swap3A_1066 = tpu.vector_load %arg18[%swap3A_1064, %swap3A_1065] {strides = array<i32>} : memref<128x128xf32, #tpu.memory_space<vmem>>, vector<16xf32>,
        tpu.vector_store %arg18[%swap3A_1064, %swap3A_1065], %broadcast_in_dim3A_0 {strides = array<i32>} : memref<128x128xf32, #tpu.memory_space<vmem>>, vector<16xf32>,
        %swap3A_1067 = arith.index_cast %scan3A_908 : i32 to index
        %swap3A_1068 = arith.constant 16 : index
        %swap3A_1069 = tpu.vector_load %arg18[%swap3A_1067, %swap3A_1068] {strides = array<i32>} : memref<128x128xf32, #tpu.memory_space<vmem>>, vector<16xf32>,
        tpu.vector_store %arg18[%swap3A_1067, %swap3A_1068], %broadcast_in_dim3A_0 {strides = array<i32>} : memref<128x128xf32, #tpu.memory_space<vmem>>, vector<16xf32>,
        %swap3A_1070 = arith.index_cast %scan3A_908 : i32 to index
        %swap3A_1071 = arith.constant 32 : index
        %swap3A_1072 = tpu.vector_load %arg18[%swap3A_1070, %swap3A_1071] {strides = array<i32>} : memref<128x128xf32, #tpu.memory_space<vmem>>, vector<16xf32>,
        tpu.vector_store %arg18[%swap3A_1070, %swap3A_1071], %broadcast_in_dim3A_0 {strides = array<i32>} : memref<128x128xf32, #tpu.memory_space<vmem>>, vector<16xf32>,
        %swap3A_1073 = arith.index_cast %scan3A_908 : i32 to index
        %swap3A_1074 = arith.constant 48 : index
        %swap3A_1075 = tpu.vector_load %arg18[%swap3A_1073, %swap3A_1074] {strides = array<i32>} : memref<128x128xf32, #tpu.memory_space<vmem>>, vector<16xf32>,
        tpu.vector_store %arg18[%swap3A_1073, %swap3A_1074], %broadcast_in_dim3A_0 {strides = array<i32>} : memref<128x128xf32, #tpu.memory_space<vmem>>, vector<16xf32>,
        %swap3A_1076 = arith.index_cast %scan3A_908 : i32 to index
        %swap3A_1077 = arith.constant 64 : index
        %swap3A_1078 = tpu.vector_load %arg18[%swap3A_1076, %swap3A_1077] {strides = array<i32>} : memref<128x128xf32, #tpu.memory_space<vmem>>, vector<16xf32>,
        tpu.vector_store %arg18[%swap3A_1076, %swap3A_1077], %broadcast_in_dim3A_0 {strides = array<i32>} : memref<128x128xf32, #tpu.memory_space<vmem>>, vector<16xf32>,
        %swap3A_1079 = arith.index_cast %scan3A_908 : i32 to index
        %swap3A_1080 = arith.constant 80 : index
        %swap3A_1081 = tpu.vector_load %arg18[%swap3A_1079, %swap3A_1080] {strides = array<i32>} : memref<128x128xf32, #tpu.memory_space<vmem>>, vector<16xf32>,
        tpu.vector_store %arg18[%swap3A_1079, %swap3A_1080], %broadcast_in_dim3A_0 {strides = array<i32>} : memref<128x128xf32, #tpu.memory_space<vmem>>, vector<16xf32>,
        %swap3A_1082 = arith.index_cast %scan3A_908 : i32 to index
        %swap3A_1083 = arith.constant 96 : index
        %swap3A_1084 = tpu.vector_load %arg18[%swap3A_1082, %swap3A_1083] {strides = array<i32>} : memref<128x128xf32, #tpu.memory_space<vmem>>, vector<16xf32>,
        tpu.vector_store %arg18[%swap3A_1082, %swap3A_1083], %broadcast_in_dim3A_0 {strides = array<i32>} : memref<128x128xf32, #tpu.memory_space<vmem>>, vector<16xf32>,
        %swap3A_1085 = arith.index_cast %scan3A_908 : i32 to index
        %swap3A_1086 = arith.constant 112 : index
        %swap3A_1087 = tpu.vector_load %arg18[%swap3A_1085, %swap3A_1086] {strides = array<i32>} : memref<128x128xf32, #tpu.memory_space<vmem>>, vector<16xf32>,
        tpu.vector_store %arg18[%swap3A_1085, %swap3A_1086], %broadcast_in_dim3A_0 {strides = array<i32>} : memref<128x128xf32, #tpu.memory_space<vmem>>, vector<16xf32>,
        %eq3A_1088 = arith.constant 0 : i32
        %eq3A_1089 = vector.broadcast %eq3A_1088 : i32 to vector<16xi32>
        %eq3A_1090 = arith.cmpi eq, %iota3A, %eq3A_1089 : vector<16xi32>
        %select_n3A_1091 = arith.select %eq3A_1090, %exp3A_1023, %broadcast_in_dim3A_0 : vector<16xi1>, vector<16xf32>
        %swap3A_1092 = arith.index_cast %scan3A_908 : i32 to index
        %swap3A_1093 = arith.index_cast %mul3A_1063 : i32 to index
        %swap3A_1094 = tpu.vector_load %arg18[%swap3A_1092, %swap3A_1093] {strides = array<i32>} : memref<128x128xf32, #tpu.memory_space<vmem>>, vector<16xf32>,
        tpu.vector_store %arg18[%swap3A_1092, %swap3A_1093], %select_n3A_1091 {strides = array<i32>} : memref<128x128xf32, #tpu.memory_space<vmem>>, vector<16xf32>,
      }
      %scan3A_337 = arith.constant 128 : i32
      %dma_start3A_338 = arith.constant 0 : i32
      %dma_start3A_339 = arith.constant 0 : i32
      %dma_start3A_340 = tpu.memref_slice %arg21[%dma_start3A_338, %dma_start3A_339] : memref<5128x128xf32, #tpu.memory_space<vmem_shared>> -> memref<5128x128xf32, #tpu.memory_space<vmem_shared>>
      tpu.enqueue_indirect_dma source(%arg17 : memref<128x128xf32, #tpu.memory_space<vmem>>) target(%dma_start3A_340 : memref<5128x128xf32, #tpu.memory_space<vmem_shared>>) offsets(%arg13 : memref<128xi32, #tpu.memory_space<vmem>>) semaphore(%arg25 : memref<!tpu.dma_semaphore, #tpu.memory_space<semaphore_mem>>) {add = true}
      %dma_start3A_341 = arith.constant 0 : i32
      %dma_start3A_342 = arith.constant 0 : i32
      %dma_start3A_343 = tpu.memref_slice %arg22[%dma_start3A_341, %dma_start3A_342] : memref<648x128xf32, #tpu.memory_space<vmem_shared>> -> memref<648x128xf32, #tpu.memory_space<vmem_shared>>
      tpu.enqueue_indirect_dma source(%arg18 : memref<128x128xf32, #tpu.memory_space<vmem>>) target(%dma_start3A_343 : memref<648x128xf32, #tpu.memory_space<vmem_shared>>) offsets(%arg14 : memref<128xi32, #tpu.memory_space<vmem>>) semaphore(%arg26 : memref<!tpu.dma_semaphore, #tpu.memory_space<semaphore_mem>>) {add = true}
      %dma_wait3A_344 = arith.constant 0 : i32
      %dma_wait3A_345 = arith.constant 0 : i32
      %dma_wait3A_346 = tpu.memref_slice %arg21[%dma_wait3A_344, %dma_wait3A_345] : memref<5128x128xf32, #tpu.memory_space<vmem_shared>> -> memref<5128x128xf32, #tpu.memory_space<vmem_shared>>
      tpu.wait_indirect_dma semaphore(%arg25 : memref<!tpu.dma_semaphore, #tpu.memory_space<semaphore_mem>>) src(%arg17 : memref<128x128xf32, #tpu.memory_space<vmem>>) dst(%dma_wait3A_346 : memref<5128x128xf32, #tpu.memory_space<vmem_shared>>)
      %dma_wait3A_347 = arith.constant 0 : i32
      %dma_wait3A_348 = arith.constant 0 : i32
      %dma_wait3A_349 = tpu.memref_slice %arg22[%dma_wait3A_347, %dma_wait3A_348] : memref<648x128xf32, #tpu.memory_space<vmem_shared>> -> memref<648x128xf32, #tpu.memory_space<vmem_shared>>
      tpu.wait_indirect_dma semaphore(%arg26 : memref<!tpu.dma_semaphore, #tpu.memory_space<semaphore_mem>>) src(%arg18 : memref<128x128xf32, #tpu.memory_space<vmem>>) dst(%dma_wait3A_349 : memref<648x128xf32, #tpu.memory_space<vmem_shared>>)
    }
    %scan3A_40 = arith.constant 162 : i32
    %barrier3A_41 = arith.constant 0 : index
    tpu.barrier barrier_id(%barrier3A_41)
    %mul3A_42 = arith.constant 320 : i32
    %mul3A_43 = arith.muli %arg1, %mul3A_42 : i32
    %mul3A_44 = arith.constant 5120 : i32
    %mul3A_45 = arith.muli %arg0, %mul3A_44 : i32
    %mul3A_46 = arith.constant 320 : i32
    %mul3A_47 = arith.muli %arg1, %mul3A_46 : i32
    %add3A_48 = arith.addi %mul3A_45, %mul3A_47 : i32
    "tpu.region"() ({
      %run_scoped3A = tpu.sem_alloc : memref<!tpu.dma_semaphore, #tpu.memory_space<semaphore_mem>>
      %dma_start3A = arith.constant 0 : i32
      %dma_start3A_56 = tpu.memref_slice %arg8[%add3A_48, %dma_start3A] : memref<10240x128xf32, #tpu.memory_space<hbm>> -> memref<320x128xf32, #tpu.memory_space<hbm>>
      %dma_start3A_57 = arith.constant 0 : i32
      %dma_start3A_58 = tpu.memref_slice %arg21[%mul3A_43, %dma_start3A_57] : memref<5128x128xf32, #tpu.memory_space<vmem_shared>> -> memref<320x128xf32, #tpu.memory_space<vmem_shared>>
      tpu.enqueue_dma source(%dma_start3A_58 : memref<320x128xf32, #tpu.memory_space<vmem_shared>>) target(%dma_start3A_56 : memref<320x128xf32, #tpu.memory_space<hbm>>) target_semaphore(%run_scoped3A : memref<!tpu.dma_semaphore, #tpu.memory_space<semaphore_mem>>)
      %dma_wait3A = arith.constant 0 : i32
      %dma_wait3A_59 = tpu.memref_slice %arg8[%add3A_48, %dma_wait3A] : memref<10240x128xf32, #tpu.memory_space<hbm>> -> memref<320x128xf32, #tpu.memory_space<hbm>>
      %dma_wait3A_60 = arith.constant 0 : i32
      %dma_wait3A_61 = tpu.memref_slice %arg21[%mul3A_43, %dma_wait3A_60] : memref<5128x128xf32, #tpu.memory_space<vmem_shared>> -> memref<320x128xf32, #tpu.memory_space<vmem_shared>>
      tpu.wait_dma2 semaphore(%run_scoped3A : memref<!tpu.dma_semaphore, #tpu.memory_space<semaphore_mem>>) src(%dma_wait3A_61 : memref<320x128xf32, #tpu.memory_space<vmem_shared>>) dst(%dma_wait3A_59 : memref<320x128xf32, #tpu.memory_space<hbm>>)
      tpu.yield
    }) : () -> ()
    %mul3A_49 = arith.constant 40 : i32
    %mul3A_50 = arith.muli %arg1, %mul3A_49 : i32
    %mul3A_51 = arith.constant 640 : i32
    %mul3A_52 = arith.muli %arg0, %mul3A_51 : i32
    %mul3A_53 = arith.constant 40 : i32
    %mul3A_54 = arith.muli %arg1, %mul3A_53 : i32
    %add3A_55 = arith.addi %mul3A_52, %mul3A_54 : i32
    "tpu.region"() ({
      %run_scoped3A = tpu.sem_alloc : memref<!tpu.dma_semaphore, #tpu.memory_space<semaphore_mem>>
      %dma_start3A = arith.constant 0 : i32
      %dma_start3A_56 = tpu.memref_slice %arg9[%add3A_55, %dma_start3A] : memref<1280x128xf32, #tpu.memory_space<hbm>> -> memref<40x128xf32, #tpu.memory_space<hbm>>
      %dma_start3A_57 = arith.constant 0 : i32
      %dma_start3A_58 = tpu.memref_slice %arg22[%mul3A_50, %dma_start3A_57] : memref<648x128xf32, #tpu.memory_space<vmem_shared>> -> memref<40x128xf32, #tpu.memory_space<vmem_shared>>
      tpu.enqueue_dma source(%dma_start3A_58 : memref<40x128xf32, #tpu.memory_space<vmem_shared>>) target(%dma_start3A_56 : memref<40x128xf32, #tpu.memory_space<hbm>>) target_semaphore(%run_scoped3A : memref<!tpu.dma_semaphore, #tpu.memory_space<semaphore_mem>>)
      %dma_wait3A = arith.constant 0 : i32
      %dma_wait3A_59 = tpu.memref_slice %arg9[%add3A_55, %dma_wait3A] : memref<1280x128xf32, #tpu.memory_space<hbm>> -> memref<40x128xf32, #tpu.memory_space<hbm>>
      %dma_wait3A_60 = arith.constant 0 : i32
      %dma_wait3A_61 = tpu.memref_slice %arg22[%mul3A_50, %dma_wait3A_60] : memref<648x128xf32, #tpu.memory_space<vmem_shared>> -> memref<40x128xf32, #tpu.memory_space<vmem_shared>>
      tpu.wait_dma2 semaphore(%run_scoped3A : memref<!tpu.dma_semaphore, #tpu.memory_space<semaphore_mem>>) src(%dma_wait3A_61 : memref<40x128xf32, #tpu.memory_space<vmem_shared>>) dst(%dma_wait3A_59 : memref<40x128xf32, #tpu.memory_space<hbm>>)
      tpu.yield
    }) : () -> ()
    return
  }
}

module attributes {stable_mosaic.version = 14 : i64} {
  func.func @body(%arg0: i32, %arg1: memref<1024x128xf32, #tpu.memory_space<vmem>>, %arg2: memref<128x128xf32, #tpu.memory_space<vmem>>, %arg3: memref<128x128xf32, #tpu.memory_space<vmem>>, %arg4: memref<1024x128xf32, #tpu.memory_space<vmem>>, %arg5: memref<1024x128xf32, #tpu.memory_space<vmem>>) attributes {dimension_semantics = [#tpu.dimension_semantics<arbitrary>], iteration_bounds = array<i64: 10>, scalar_prefetch = 0 : i64, scratch_operands = 0 : i64, tpu.core_type = #tpu.core_type<tc>, window_params = [{transform_indices = @transform_0, window_bounds = array<i64: 1024, 128>}, {pipeline_mode = #tpu.pipeline_mode<synchronous>, transform_indices = @transform_1, window_bounds = array<i64: 128, 128>}, {pipeline_mode = #tpu.pipeline_mode<synchronous>, transform_indices = @transform_2, window_bounds = array<i64: 128, 128>}, {transform_indices = @transform_3, window_bounds = array<i64: 1024, 128>}, {transform_indices = @transform_4, window_bounds = array<i64: 1024, 128>}]} {
    %get3A = arith.constant 0 : index
    %get3A_0 = arith.constant 0 : index
    %get3A_1 = vector.load %arg1[%get3A, %get3A_0] : memref<1024x128xf32, #tpu.memory_space<vmem>>, vector<1024x128xf32>
    %get3A_2 = arith.constant 0 : index
    %get3A_3 = arith.constant 0 : index
    %get3A_4 = vector.load %arg2[%get3A_2, %get3A_3] : memref<128x128xf32, #tpu.memory_space<vmem>>, vector<128x128xf32>
    %dot_general3A = arith.constant dense<0.000000e+00> : vector<1024x128xf32>
    %dot_general3A_5 = tpu.matmul %get3A_1, %get3A_4, %dot_general3A {dimension_numbers = #tpu.dot_dimension_numbers<[1], [0], [0], [1], [0, 0, 1, 1], [], []>, transpose_lhs_hint = false} : vector<1024x128xf32>, vector<128x128xf32>, vector<1024x128xf32> -> vector<1024x128xf32>
    %swap3A = arith.constant 0 : index
    %swap3A_6 = arith.constant 0 : index
    %swap3A_7 = vector.load %arg4[%swap3A, %swap3A_6] : memref<1024x128xf32, #tpu.memory_space<vmem>>, vector<1024x128xf32>
    tpu.vector_store %arg4[%swap3A, %swap3A_6], %dot_general3A_5 {strides = array<i32>} : memref<1024x128xf32, #tpu.memory_space<vmem>>, vector<1024x128xf32>,
    %get3A_8 = arith.constant 0 : index
    %get3A_9 = arith.constant 0 : index
    %get3A_10 = vector.load %arg3[%get3A_8, %get3A_9] : memref<128x128xf32, #tpu.memory_space<vmem>>, vector<128x128xf32>
    %dot_general3A_11 = arith.constant dense<0.000000e+00> : vector<1024x128xf32>
    %dot_general3A_12 = tpu.matmul %get3A_1, %get3A_10, %dot_general3A_11 {dimension_numbers = #tpu.dot_dimension_numbers<[1], [0], [0], [1], [0, 0, 1, 1], [], []>, transpose_lhs_hint = false} : vector<1024x128xf32>, vector<128x128xf32>, vector<1024x128xf32> -> vector<1024x128xf32>
    %swap3A_13 = arith.constant 0 : index
    %swap3A_14 = arith.constant 0 : index
    %swap3A_15 = vector.load %arg5[%swap3A_13, %swap3A_14] : memref<1024x128xf32, #tpu.memory_space<vmem>>, vector<1024x128xf32>
    tpu.vector_store %arg5[%swap3A_13, %swap3A_14], %dot_general3A_12 {strides = array<i32>} : memref<1024x128xf32, #tpu.memory_space<vmem>>, vector<1024x128xf32>,
    return
  }
  func.func @transform_0(%arg0: i32) -> (i32, i32) {
    %c0_i32 = arith.constant 0 : i32
    %c0_i32_0 = arith.constant 0 : i32
    return %arg0, %c0_i32 : i32, i32
  }
  func.func @transform_1(%arg0: i32) -> (i32, i32) {
    %c0_i32 = arith.constant 0 : i32
    %c0_i32_0 = arith.constant 0 : i32
    %c0_i32_1 = arith.constant 0 : i32
    return %c0_i32, %c0_i32_0 : i32, i32
  }
  func.func @transform_2(%arg0: i32) -> (i32, i32) {
    %c0_i32 = arith.constant 0 : i32
    %c0_i32_0 = arith.constant 0 : i32
    %c0_i32_1 = arith.constant 0 : i32
    return %c0_i32, %c0_i32_0 : i32, i32
  }
  func.func @transform_3(%arg0: i32) -> (i32, i32) {
    %c0_i32 = arith.constant 0 : i32
    %c0_i32_0 = arith.constant 0 : i32
    return %arg0, %c0_i32 : i32, i32
  }
  func.func @transform_4(%arg0: i32) -> (i32, i32) {
    %c0_i32 = arith.constant 0 : i32
    %c0_i32_0 = arith.constant 0 : i32
    return %arg0, %c0_i32 : i32, i32
  }
}

module attributes {stable_mosaic.version = 14 : i64} {
  func.func @body(%arg0: memref<10240x128xf32, #tpu.memory_space<vmem>>, %arg1: memref<10240x1xf32, #tpu.memory_space<vmem>>, %arg2: memref<1x128xf32, #tpu.memory_space<vmem>>, %arg3: memref<1x128xf32, #tpu.memory_space<vmem>>, %arg4: memref<1x128xf32, #tpu.memory_space<vmem>>, %arg5: memref<1x1xf32, #tpu.memory_space<vmem>>, %arg6: memref<10000x128xf32, #tpu.memory_space<vmem>>) attributes {dimension_semantics = [], scalar_prefetch = 0 : i64, scratch_operands = 0 : i64, tpu.core_type = #tpu.core_type<tc>} {
    %get3A = arith.constant 0 : index
    %get3A_0 = arith.constant 0 : index
    %get3A_1 = vector.load %arg0[%get3A, %get3A_0] : memref<10240x128xf32, #tpu.memory_space<vmem>>, vector<10000x128xf32>
    %get3A_2 = arith.constant 0 : index
    %get3A_3 = arith.constant 0 : index
    %get3A_4 = vector.load %arg1[%get3A_2, %get3A_3] : memref<10240x1xf32, #tpu.memory_space<vmem>>, vector<10000x1xf32>
    %add3A = arith.constant 1.000000e-16 : f32
    %add3A_5 = vector.broadcast %add3A : f32 to vector<10000x1xf32>
    %add3A_6 = arith.addf %get3A_4, %add3A_5 : vector<10000x1xf32>
    %div3A = vector.broadcast %add3A_6 : vector<10000x1xf32> to vector<10000x128xf32>
    %div3A_7 = arith.divf %get3A_1, %div3A : vector<10000x128xf32>
    %get3A_8 = arith.constant 0 : index
    %get3A_9 = arith.constant 0 : index
    %get3A_10 = vector.load %arg2[%get3A_8, %get3A_9] : memref<1x128xf32, #tpu.memory_space<vmem>>, vector<1x128xf32>
    %add3A_11 = vector.broadcast %get3A_10 : vector<1x128xf32> to vector<10000x128xf32>
    %add3A_12 = arith.addf %div3A_7, %add3A_11 : vector<10000x128xf32>
    %reduce_sum3A = arith.constant dense<0.000000e+00> : vector<128xf32>
    %reduce_sum3A_13 = vector.multi_reduction <add>, %add3A_12, %reduce_sum3A [0] : vector<10000x128xf32> to vector<128xf32>
    %div3A_14 = arith.constant 1.000000e+04 : f32
    %div3A_15 = vector.broadcast %div3A_14 : f32 to vector<128xf32>
    %div3A_16 = arith.divf %reduce_sum3A_13, %div3A_15 : vector<128xf32>
    %broadcast_in_dim3A = vector.shape_cast %div3A_16 : vector<128xf32> to vector<1x128xf32>
    %sub3A = vector.broadcast %broadcast_in_dim3A : vector<1x128xf32> to vector<10000x128xf32>
    %sub3A_17 = arith.subf %add3A_12, %sub3A : vector<10000x128xf32>
    %integer_pow3A = arith.mulf %sub3A_17, %sub3A_17 : vector<10000x128xf32>
    %reduce_sum3A_18 = arith.constant dense<0.000000e+00> : vector<128xf32>
    %reduce_sum3A_19 = vector.multi_reduction <add>, %integer_pow3A, %reduce_sum3A_18 [0] : vector<10000x128xf32> to vector<128xf32>
    %div3A_20 = arith.constant 1.000000e+04 : f32
    %div3A_21 = vector.broadcast %div3A_20 : f32 to vector<128xf32>
    %div3A_22 = arith.divf %reduce_sum3A_19, %div3A_21 : vector<128xf32>
    %broadcast_in_dim3A_23 = vector.shape_cast %div3A_16 : vector<128xf32> to vector<1x128xf32>
    %sub3A_24 = vector.broadcast %broadcast_in_dim3A_23 : vector<1x128xf32> to vector<10000x128xf32>
    %sub3A_25 = arith.subf %add3A_12, %sub3A_24 : vector<10000x128xf32>
    %add3A_26 = arith.constant 9.99999974E-6 : f32
    %add3A_27 = vector.broadcast %add3A_26 : f32 to vector<128xf32>
    %add3A_28 = arith.addf %div3A_22, %add3A_27 : vector<128xf32>
    %sqrt3A = math.sqrt %add3A_28 : vector<128xf32>
    %broadcast_in_dim3A_29 = vector.shape_cast %sqrt3A : vector<128xf32> to vector<1x128xf32>
    %div3A_30 = vector.broadcast %broadcast_in_dim3A_29 : vector<1x128xf32> to vector<10000x128xf32>
    %div3A_31 = arith.divf %sub3A_25, %div3A_30 : vector<10000x128xf32>
    %get3A_32 = arith.constant 0 : index
    %get3A_33 = arith.constant 0 : index
    %get3A_34 = vector.load %arg3[%get3A_32, %get3A_33] : memref<1x128xf32, #tpu.memory_space<vmem>>, vector<1x128xf32>
    %mul3A = vector.broadcast %get3A_34 : vector<1x128xf32> to vector<10000x128xf32>
    %mul3A_35 = arith.mulf %div3A_31, %mul3A : vector<10000x128xf32>
    %get3A_36 = arith.constant 0 : index
    %get3A_37 = arith.constant 0 : index
    %get3A_38 = vector.load %arg4[%get3A_36, %get3A_37] : memref<1x128xf32, #tpu.memory_space<vmem>>, vector<1x128xf32>
    %add3A_39 = vector.broadcast %get3A_38 : vector<1x128xf32> to vector<10000x128xf32>
    %add3A_40 = arith.addf %mul3A_35, %add3A_39 : vector<10000x128xf32>
    %max3A = arith.constant 0.000000e+00 : f32
    %max3A_41 = vector.broadcast %max3A : f32 to vector<10000x128xf32>
    %max3A_42 = arith.maximumf %add3A_40, %max3A_41 : vector<10000x128xf32>
    %slice3A = vector.extract_strided_slice %add3A_12 {offsets = [0, 0], sizes = [10000, 64], strides = [1, 1]} : vector<10000x128xf32> to vector<10000x64xf32>
    %reduce_max3A = arith.constant dense<0xFF800000> : vector<10000xf32>
    %reduce_max3A_43 = vector.multi_reduction <maximumf>, %slice3A, %reduce_max3A [1] : vector<10000x64xf32> to vector<10000xf32>
    %broadcast_in_dim3A_44 = vector.shape_cast %reduce_max3A_43 : vector<10000xf32> to vector<10000x1xf32>
    %sub3A_45 = vector.broadcast %broadcast_in_dim3A_44 : vector<10000x1xf32> to vector<10000x64xf32>
    %sub3A_46 = arith.subf %slice3A, %sub3A_45 : vector<10000x64xf32>
    %exp3A = math.exp %sub3A_46 : vector<10000x64xf32>
    %reduce_sum3A_47 = arith.constant dense<0.000000e+00> : vector<10000xf32>
    %reduce_sum3A_48 = vector.multi_reduction <add>, %exp3A, %reduce_sum3A_47 [1] : vector<10000x64xf32> to vector<10000xf32>
    %broadcast_in_dim3A_49 = vector.shape_cast %reduce_sum3A_48 : vector<10000xf32> to vector<10000x1xf32>
    %log3A = math.log %broadcast_in_dim3A_49 : vector<10000x1xf32>
    %add3A_50 = arith.addf %broadcast_in_dim3A_44, %log3A : vector<10000x1xf32>
    %sub3A_51 = vector.broadcast %add3A_50 : vector<10000x1xf32> to vector<10000x64xf32>
    %sub3A_52 = arith.subf %slice3A, %sub3A_51 : vector<10000x64xf32>
    %broadcast_in_dim3A_53 = arith.constant 0.000000e+00 : f32
    %broadcast_in_dim3A_54 = vector.broadcast %broadcast_in_dim3A_53 : f32 to vector<10000x64xf32>
    %concatenate3A = tpu.concatenate %sub3A_52, %broadcast_in_dim3A_54 in 1 : vector<10000x64xf32>, vector<10000x64xf32> -> vector<10000x128xf32>
    %get3A_55 = arith.constant 0 : index
    %get3A_56 = arith.constant 0 : index
    %get3A_57 = vector.load %arg5[%get3A_55, %get3A_56] : memref<1x1xf32, #tpu.memory_space<vmem>>, vector<1x1xf32>
    %get3A_58 = vector.extract %get3A_57[0, 0] : f32 from vector<1x1xf32>
    %gt3A = arith.constant 5.000000e-01 : f32
    %gt3A_59 = arith.cmpf ogt, %get3A_58, %gt3A : f32
    %select_n3A = arith.select %gt3A_59, %concatenate3A, %max3A_42 : vector<10000x128xf32>
    %swap3A = arith.constant 0 : index
    %swap3A_60 = arith.constant 0 : index
    %swap3A_61 = vector.load %arg6[%swap3A, %swap3A_60] : memref<10000x128xf32, #tpu.memory_space<vmem>>, vector<10000x128xf32>
    tpu.vector_store %arg6[%swap3A, %swap3A_60], %select_n3A {strides = array<i32>} : memref<10000x128xf32, #tpu.memory_space<vmem>>, vector<10000x128xf32>,
    return
  }
}

</mosaic_0001>

<sc_bundles>
// kernel: body.23.cloned.1.call-start
scs
__scs_entry_jumppad:
0x0: {  	(pc) =	sbr.rel $0x88, $3  }
0x1: {  	(tag) =	ssettag $0x0;
	lr =	simm.s32 $0x1  }
0x2: {  	[smem:$0x3F8F] =	sst lr;
	_ =	strace $0xD0000000  }
0x3: {  	_ = 	snop  }
0x4: {  	_ = 	snop  }
0x5: {  	_ = 	snop  }
0x6: {  	_ = 	snop  }
0x7: {  	_ = 	snop  }
__scs_overlays_trampoline_lowered:
0x8: {  	[smem:$0x3F9E] =	sst s0  }
0x9: {  	[smem:$0x3F9F] =	sst s1  }
0xa: {  	[smem:$0x3FA0] =	sst s2  }
0xb: {  	[smem:$0x3FA1] =	sst s3  }
0xc: {  	[smem:$0x3FA2] =	sst s4  }
0xd: {  	[smem:$0x3FA3] =	sst s5  }
0xe: {  	[smem:$0x3FA4] =	sst s6  }
0xf: {  	[smem:$0x3FA5] =	sst s7  }
0x10: {  	[smem:$0x3FA6] =	sst s8  }
0x11: {  	[smem:$0x3FA7] =	sst s9;
	s0 =	simm.s32 @!p0 $0x0  }
0x12: {  	s1 =	sld [smem:$0x3F8D];
	s0 =	simm.s32 @p0 $0x1  }
0x13: {  	[smem:$0x3FA8] =	sst s0;
	s0 =	simm.s32 @!p1 $0x0  }
0x14: {  	s2 =	sld [smem:$0x3F8C];
	s0 =	simm.s32 @p1 $0x1  }
0x15: {  	[smem:$0x3FA9] =	sst s0;
	s0 =	simm.s32 @!p2 $0x0  }
0x16: {  	s3 =	sld [smem:$0x3FDB];
	s0 =	simm.s32 @p2 $0x1  }
0x17: {  	s4 =	simm.s32 $0x1BF5;
	[smem:$0x3FAB] =	sst s0  }
0x18: {  	s0 =	sld [smem:$0x3F8E];
	_ =	swait.ge [sflag:s4], $0x0  }
0x19: {  	s7 =	sld [smem:$0x3F8F]  }
0x1a: {  	s8 =	sadd.s32 $0xFFFFE003, lr  }
0x1b: {  	s9 =	sadd.s32 $0xFFFFFEF7, lr;
	s5 =	simm.s32 $0xFFFFFFFF;
	p2 =	slt.u32 s8, $0xFFFFF086  }
0x1c: {  	p1 =	slt.u32 s9, $0xF7A;
	s5 =	simm.s32 @!p2 $0x0  }
0x1d: {  	s5 =	simm.s32 @p1 $0x1;
	p0 =	seq.s32 s7, s2  }
0x1e: {  	s7 =	smul.u32 @!p0 $0xF7A, s2;
	p2 =	seq.s32 @!p0 s5, $0x0  }
0x1f: {  	s9 =	smul.u32 $0xF7A, s1;
	s8 =	simm.s32 @!p0 $0x1BF5;
	p2 =	por !p2, p0  }
0x20: {  	[sflag:s8] =	ssyncset.s32 @!p0 $0xFFFFF086;
	s6 =	sadd.s32 @!p0 s3, s7;
	s7 =	simm.s32 @!p0 $0x108  }
0x21: {  	s3 =	sadd.s32 s3, s9;
	s6 =	sadd.s32 @!p0 $0x88, s6;
	s7 =	simm.s32 @p2 $0x1082  }
0x22: {  	[simem:s7], [sflag:s8] =	dma.local @!p0 [hbm:s6], $0xF7A  }
0x23: {  	s9 =	sor.u32 $0xD0000000, s2;
	s6 =	simm.s32 $0x108;
	_ =	swait.ge @!p0 [sflag:s8], $0x0  }
0x24: {  	s3 =	sadd.s32 $0x88, s3;
	s6 =	simm.s32 @!p1 $0x1082;
	[sflag:s4] =	ssyncset.s32 $0xFFFFF086  }
0x25: {  	[simem:s6], [sflag:s4] =	dma.local [hbm:s3], $0xF7A  }
0x26: {  	[smem:$0x3F8F] =	sst s1;
	(tag) =	ssettag s2;
	_ =	strace s9  }
0x27: {  	s1 =	sld [smem:$0x3F9F]  }
0x28: {  	s2 =	sld [smem:$0x3FA0]  }
0x29: {  	s4 =	sld [smem:$0x3FA2]  }
0x2a: {  	p0 =	seq.s32 s5, $0x0;
	s5 =	sld [smem:$0x3FA3]  }
0x2b: {  	s6 =	sld [smem:$0x3FA4]  }
0x2c: {  	s7 =	sld [smem:$0x3FA5]  }
0x2d: {  	s3 =	simm.s32 $0x108;
	s8 =	sld [smem:$0x3FA6]  }
0x2e: {  	s3 =	simm.s32 @!p0 $0x1082;
	s9 =	sld [smem:$0x3FA7]  }
0x2f: {  	lr =	sadd.s32 s0, s3;
	s0 =	sld [smem:$0x3F9E]  }
0x30: {  	s3 =	sld [smem:$0x3FA1]  }
0x31: {  	[smem:$0x3FAA] =	sst s10  }
0x32: {  	s10 =	sld [smem:$0x3FA8];
	_ =	sdelay $0x3  }
0x33: {  	p0 =	seq.s32 s10, $0x1;
	s10 =	sld [smem:$0x3FAA];
	_ =	sdelay $0x3  }
0x34: {  	[smem:$0x3FAA] =	sst s10  }
0x35: {  	s10 =	sld [smem:$0x3FA9];
	_ =	sdelay $0x3  }
0x36: {  	p1 =	seq.s32 s10, $0x1;
	s10 =	sld [smem:$0x3FAA];
	_ =	sdelay $0x3  }
0x37: {  	[smem:$0x3FAA] =	sst s10  }
0x38: {  	s10 =	sld [smem:$0x3FAB]  }
0x39: {  	_ = 	snop;
	(pc) =	sbr.ind lr, $3  }
0x3a: {  	_ = 	snop  }
0x3b: {  	_ = 	snop  }
0x3c: {  	p2 =	seq.s32 s10, $0x1;
	s10 =	sld [smem:$0x3FAA]  }
0x3d: {  	_ =	shalt  }
0x3e: {  	_ =	shalt  }
0x3f: {  	_ =	shalt  }
0x40: {  	_ =	shalt  }
0x41: {  	_ =	shalt  }
0x42: {  	_ =	shalt  }
0x43: {  	_ =	shalt  }
0x44: {  	_ =	shalt  }
0x45: {  	_ =	shalt  }
0x46: {  	_ =	shalt  }
0x47: {  	_ =	shalt  }
0x48: {  	_ =	shalt  }
0x49: {  	_ =	shalt  }
0x4a: {  	_ =	shalt  }
0x4b: {  	_ =	shalt  }
0x4c: {  	_ =	shalt  }
0x4d: {  	_ =	shalt  }
0x4e: {  	_ =	shalt  }
0x4f: {  	_ =	shalt  }
0x50: {  	_ =	shalt  }
0x51: {  	_ =	shalt  }
0x52: {  	_ =	shalt  }
0x53: {  	_ =	shalt  }
0x54: {  	_ =	shalt  }
0x55: {  	_ =	shalt  }
0x56: {  	_ =	shalt  }
0x57: {  	_ =	shalt  }
0x58: {  	_ =	shalt  }
0x59: {  	_ =	shalt  }
0x5a: {  	_ =	shalt  }
0x5b: {  	_ =	shalt  }
0x5c: {  	_ =	shalt  }
0x5d: {  	_ =	shalt  }
0x5e: {  	_ =	shalt  }
0x5f: {  	_ =	shalt  }
0x60: {  	_ =	shalt  }
0x61: {  	_ =	shalt  }
0x62: {  	_ =	shalt  }
0x63: {  	_ =	shalt  }
0x64: {  	_ =	shalt  }
0x65: {  	_ =	shalt  }
0x66: {  	_ =	shalt  }
0x67: {  	_ =	shalt  }
0x68: {  	_ =	shalt  }
0x69: {  	_ =	shalt  }
0x6a: {  	_ =	shalt  }
0x6b: {  	_ =	shalt  }
0x6c: {  	_ =	shalt  }
0x6d: {  	_ =	shalt  }
0x6e: {  	_ =	shalt  }
0x6f: {  	_ =	shalt  }
0x70: {  	_ =	shalt  }
0x71: {  	_ =	shalt  }
0x72: {  	_ =	shalt  }
0x73: {  	_ =	shalt  }
0x74: {  	_ =	shalt  }
0x75: {  	_ =	shalt  }
0x76: {  	_ =	shalt  }
0x77: {  	_ =	shalt  }
0x78: {  	_ =	shalt  }
0x79: {  	_ =	shalt  }
0x7a: {  	_ =	shalt  }
0x7b: {  	_ =	shalt  }
0x7c: {  	_ =	shalt  }
0x7d: {  	_ =	shalt  }
0x7e: {  	_ =	shalt  }
0x7f: {  	_ =	shalt  }
0x80: {  	_ =	shalt  }
0x81: {  	_ =	shalt  }
0x82: {  	_ =	shalt  }
0x83: {  	_ =	shalt  }
0x84: {  	_ =	shalt  }
0x85: {  	_ =	shalt  }
0x86: {  	_ =	shalt  }
0x87: {  	_ =	shalt  }
.Lfunc_end0:
.L_simem_size_0:
called_computation_lowered:
.L_overlay_start_0:
0x88: {  	s2 =	sld [smem:$0x3FD9]  }
0x89: {  	s3 =	sld [smem:$0x3FFE];
	_ =	sdelay $0x1  }
0x8a: {  	s1 =	srdreg.scid  }
0x8b: {  	s0 =	sand.u32 $0x1, s1  }
0x8c: {  	s17 =	sshll.u32 s0, $0xA;
	s2 =	sadd.s32 s3, s2  }
0x8d: {  	s2 =	sadd.s32 s2, s17  }
0x8e: {  	[smem:$0x3FB6] =	sst s2  }
0x8f: {  	_ = 	snop  }
0x90: {  	s2 =	sld [smem:$0x3FD0];
	(tm) =	ssettm $0x1  }
0x91: {  	s18 =	sld [smem:$0x3FFB];
	_ =	sdelay $0x3  }
0x92: {  	_ =	strace s18  }
0x93: {  	s3 =	sld [smem:$0x3FFC];
	_ =	sdelay $0x3  }
0x94: {  	_ =	strace s3  }
0x95: {  	s3 =	sld [smem:$0x3FFD];
	_ =	sdelay $0x3  }
0x96: {  	_ =	strace s3  }
0x97: {  	_ =	strace $0x8FFFFFFF  }
0x98: {  	s19 =	sld [smem:$0x3FDB];
	_ =	sdelay $0x1  }
0x99: {  	s4 =	simm.s32 $_scs_section_size  }
0x9a: {  	s5 =	simm.s32 $_size__tile_overlayer_lowered;
	s6 =	simm.s32 $_tile_overlayer_lowered  }
0x9b: {  	s22 =	simm.s32 $0x1BFF;
	s21 =	sshll.u32 s6, $0x1;
	s3 =	sadd.s32 s4, s19  }
0x9c: {  	s7 =	simm.s32 $0x0;
	s20 =	sshll.u32 s5, $0x1;
	s5 =	sadd.s32 s21, s3  }
0x9d: {  	[timem:s7], [sflag:s22] =	dma.local [hbm:s5], s20  }
0x9e: {  	_ =	swait.ge [sflag:s22], s20  }
0x9f: {  	s4 =	ssub.s32 $0x0, s20;
	[sflag:s22] =	ssyncset.done $0x0  }
0xa0: {  	[sflag:s22] =	ssyncadd.s32 s4;
	_ =	sdelay $0x1  }
0xa1: {  	s23 =	simm.s32 $0x1B8B  }
0xa2: {  	_ =	swait.ge [sflag:s23], $0x1  }
0xa3: {  	[sflag:s23] =	ssyncset.done $0x0  }
0xa4: {  	s25 =	simm.s32 $0x1B8E;
	s24 =	sld [smem:$0x3FFE];
	[sflag:s23] =	ssyncadd.s32 $0xFFFFFFFF  }
0xa5: {  	s26 =	simm.s32 $execute0_lowered;
	[smem:$0x3FD2] =	sst s25  }
0xa6: {  	s5 =	sshll.u32 s26, $0x1;
	_ =	strace $0x80000046;
	[dreg:$0x1] =	wrdreg $0xFFFFFFFF  }
0xa7: {  	s28 =	simm.s32 $_size_execute0_lowered;
	s3 =	sadd.s32 s3, s5;
	[dreg:$0x0] =	wrdreg $0x0  }
0xa8: {  	s5 =	sshll.u32 s28, $0x1;
	[dreg:$0x2] =	wrdreg s3  }
0xa9: {  	[dreg:$0x3] =	wrdreg s5  }
0xaa: {  	[dreg:$0x4] =	wrdreg $0xC0  }
0xab: {  	_ =	task [dreg:s7], $0x5FFFF  }
0xac: {  	[dreg:$0x1] =	wrdreg $0xFFFFFFFF  }
0xad: {  	[dreg:$0x0] =	wrdreg $0x60  }
0xae: {  	[dreg:$0x2] =	wrdreg s24  }
0xaf: {  	[dreg:$0x3] =	wrdreg s2  }
0xb0: {  	[dreg:$0x4] =	wrdreg $0x143800  }
0xb1: {  	[dreg:$0x5] =	wrdreg $0x1E3C00  }
0xb2: {  	[dreg:$0x6] =	wrdreg $0x9  }
0xb3: {  	_ =	task.clear_ibuf [dreg:s7], $0x7FFFF;
	_ =	strace $0x90000046  }
0xb4: {  	s29 =	simm.s32 $0x9;
	_ =	strace $0x80000048  }
0xb5: {  	_ =	swait.ge [sflag:s29], $0x1  }
0xb6: {  	[sflag:s29] =	ssyncadd.s32 $0xFFFFFFFF  }
0xb7: {  	_ =	strace $0x90000048  }
0xb8: {  	_ =	sfence  }
0xb9: {  	s30 =	sld [smem:$0x0];
	_ =	sdelay $0x2  }
0xba: {  	s31 =	sshll.u32 s1, $0xD;
	s1 =	sshrl.u32 s1, $0x2  }
0xbb: {  	s3 =	sand.u32 $0x4000, s31;
	s1 =	sadd.s32 s1, s30  }
0xbc: {  	s0 =	sor.u32 s3, s0;
	s1 =	sshll.u32 s1, $0x11  }
0xbd: {  	s0 =	sor.u32 s1, s0  }
0xbe: {  	s0 =	sadd.s32 $0x8F2B, s0  }
0xbf: {  	[sflag:s0] =	ssyncadd.remote.s32 $0x1  }
0xc0: {  	_ =	sfence.sel $0xFFFF  }
0xc1: {  	[dreg:$0x0] =	wrdreg $0xFFFFFFFF;
	(pc) =	sbr.abs _section_cstart, $3  }
0xc2: {  	[dreg:$0x1] =	wrdreg $0xFFFFFFFF  }
0xc3: {  	_ =	task.clear_ibuf [dreg:s7], $0x2FFFF;
	_ =	strace $0x9FFFFFFF  }
0xc4: {  	(tm) =	ssettm $0x7FFFFFFF  }
0xc5: {  	_ =	shalt  }
tec
execute0_lowered:
.L_overlay_start_1:
0x0: {  	(tag) =	ssettag $0x1  }
0x1: {  	s0 =	rddreg [dreg:$0x0]  }
0x2: {  	s1 =	rddreg [dreg:$0x1]  }
0x3: {  	s2 =	rddreg [dreg:$0x2]  }
0x4: {  	s3 =	rddreg [dreg:$0x3]  }
0x5: {  	s4 =	srdreg.scid;
	s16 =	stileid.u32;
	s6 =	simm.s32 $0x0  }
0x6: {  	s28 =	simm.s32 $0x4300;
	s29 =	simm.s32 $0x1;
	s30 =	simm.s32 $0x2  }
0x7: {  	s31 =	simm.s32 $0x200;
	s4 =	sand.u32 $0x1, s4;
	s5 =	smul.u32 $0x1400, s16  }
0x8: {  	[smem:$0x7FF] =	sst s6;
	s6 =	sadd.s32 $0x18A00, s0;
	s11 =	smul.u32 $0x280, s16  }
0x9: {  	s7 =	sadd.s32 $0x40A00, s0;
	s8 =	sadd.s32 $0xE600, s0;
	s24 =	smul.u32 $0x28000, s16  }
0xa: {  	s9 =	sadd.s32 $0x4400, s0;
	s13 =	sadd.s32 $0x18800, s0;
	s26 =	smul.u32 $0x5000, s16  }
0xb: {  	s15 =	smul.u32 $0x5100, s16;
	s21 =	sadd.s32 $0xA0000, s2;
	s22 =	sadd.s32 $0x14000, s3  }
0xc: {  	s10 =	smul.u32 $0x14000, s4;
	_ =	strace $0x80000047;
	[dreg:$0x5] =	wrdreg s13  }
0xd: {  	p0 =	sne.s32 s16, $0x0;
	s12 =	smul.u32 $0x2800, s4;
	[dreg:$0xa] =	wrdreg s21  }
0xe: {  	s25 =	ssub.s32 $0x2, s4;
	[dreg:$0xb] =	wrdreg s22;
	s23 =	smul.u32 $0x1400, s4  }
0xf: {  	s4 =	smul.u32 $0x280, s4;
	s22 =	simm.s32 $0x5;
	s21 =	simm.s32 $0xC300  }
0x10: {  	s14 =	sshrl.u32 s25, $0x1;
	s19 =	sshrl.u32 s26, $0x2;
	s5 =	sadd.s32 s5, s10  }
0x11: {  	s11 =	sadd.s32 s11, s12;
	s10 =	sshrl.u32 s24, $0x2;
	s14 =	ssub.s32 s25, s14  }
0x12: {  	s24 =	simm.s32 $0x80;
	s25 =	simm.s32 $0x100;
	s26 =	smax.u32 s14, $0x1  }
0x13: {  	v1 =	vmov s4;
	s4 =	simm.s32 $0x3;
	s17 =	sadd.s32 s10, s2;
	[dreg:$0xe] =	wrdreg s26  }
0x14: {  	s12 =	simm.s32 $0x0;
	s18 =	sadd.s32 $0x4000, s17;
	[dreg:$0x6] =	wrdreg s17  }
0x15: {  	s5 =	sadd.s32 s5, s0;
	s20 =	sadd.s32 $0x8000, s17;
	[dreg:$0x7] =	wrdreg s18  }
0x16: {  	s0 =	sadd.s32 s11, s0;
	s5 =	sadd.s32 $0x6DA00, s5;
	[dreg:$0x8] =	wrdreg s20  }
0x17: {  	s10 =	simm.s32 $0x4;
	s0 =	sadd.s32 $0x68A00, s0;
	[dreg:$0xc] =	wrdreg s5  }
0x18: {  	s26 =	simm.s32 $0x300;
	s18 =	sadd.s32 s19, s3;
	[dreg:$0xd] =	wrdreg s0  }
0x19: {  	v2 =	vimm.f32 $0.0e+00;
	vm0 =	vmmov $0x1;
	v0 =	vmov s23;
	s0 =	simm.s32 $0x8300;
	s5 =	simm.s32 $0x280;
	[dreg:$0x9] =	wrdreg s18  }
.LBB2_1:
0x1a: {  	s11 =	simm.s32 $0x0;
	s13 =	rddreg [dreg:$0x5];
	s14 =	simm.s32 $0x14300  }
0x1b: {  	[tilespmem:s14], [sflag:$0x5] =	stream.linear.gather [hbm4b:s13+s11], $0x80, $0x38;
	[tilespmem:$0x1F800] =	vst v63  }
0x1c: {  	_ =	swait.ge [sflag:s22], $0x80  }
0x1d: {  	[sflag:s22] =	ssyncset.done $0x0  }
0x1e: {  	s13 =	simm.s32 $0x0;
	s14 =	simm.s32 $0x200;
	[sflag:s22] =	ssyncadd.s32 $0xFFFFFF80  }
.LBB2_2:
0x1f: {  	p1 =	sne.s32 s14, $0xFE00;
	[tilespmem:s13+$0xC370] =	vst v2  }
0x20: {  	[tilespmem:s13+$0x10300] =	vst v2  }
0x21: {  	[tilespmem:s13+$0xC300] =	vst v2  }
0x22: {  	[tilespmem:s13+$0x10310] =	vst v2  }
0x23: {  	[tilespmem:s13+$0xC310] =	vst v2  }
0x24: {  	[tilespmem:s13+$0x10320] =	vst v2  }
0x25: {  	[tilespmem:s13+$0xC320] =	vst v2  }
0x26: {  	[tilespmem:s13+$0x10330] =	vst v2  }
0x27: {  	[tilespmem:s13+$0xC330] =	vst v2  }
0x28: {  	[tilespmem:s13+$0x10340] =	vst v2  }
0x29: {  	[tilespmem:s13+$0xC340] =	vst v2  }
.Ltmp0:
0x2a: {  	[tilespmem:s13+$0x10350] =	vst v2;
	(pc) =	sbr.rel @p1 .LBB2_2-.Ltmp0, $4  }
0x2b: {  	[tilespmem:s13+$0xC350] =	vst v2  }
0x2c: {  	[tilespmem:s13+$0x10360] =	vst v2  }
0x2d: {  	[tilespmem:s13+$0xC360] =	vst v2  }
0x2e: {  	[tilespmem:s13+$0x10370] =	vst v2;
	s13 =	sshra.s32 s14, $0x2;
	s14 =	sadd.s32 $0x200, s14  }
0x2f: {  	[tilespmem:s13+$0xC370] =	vst v2  }
0x30: {  	[tilespmem:s13+$0x10300] =	vst v2  }
0x31: {  	[tilespmem:s13+$0xC300] =	vst v2  }
0x32: {  	[tilespmem:s13+$0x10310] =	vst v2  }
0x33: {  	[tilespmem:s13+$0xC310] =	vst v2  }
0x34: {  	[tilespmem:s13+$0x10320] =	vst v2  }
0x35: {  	[tilespmem:s13+$0xC320] =	vst v2  }
0x36: {  	[tilespmem:s13+$0x10330] =	vst v2  }
0x37: {  	[tilespmem:s13+$0xC330] =	vst v2  }
0x38: {  	[tilespmem:s13+$0x10340] =	vst v2  }
0x39: {  	[tilespmem:s13+$0xC340] =	vst v2  }
0x3a: {  	[tilespmem:s13+$0x10350] =	vst v2  }
0x3b: {  	[tilespmem:s13+$0xC350] =	vst v2  }
0x3c: {  	[tilespmem:s13+$0x10360] =	vst v2  }
0x3d: {  	[tilespmem:s13+$0xC360] =	vst v2  }
0x3e: {  	[tilespmem:s13+$0x10370] =	vst v2;
	s20 =	simm.s32 $0x10300  }
0x3f: {  	[spmem:s17] =	stream.linear.scatter [tilespmem:s20], [sflag:$0x5], $0x4000, $0x38;
	[tilespmem:$0x1F800] =	vst v63  }
0x40: {  	_ =	swait.ge [sflag:s22], $0x4000  }
0x41: {  	[sflag:s22] =	ssyncset.done $0x0  }
0x42: {  	s11 =	rddreg [dreg:$0x7];
	[sflag:s22] =	ssyncadd.s32 $0xFFFFC000  }
0x43: {  	[spmem:s11] =	stream.linear.scatter [tilespmem:s20], [sflag:$0x5], $0x4000, $0x38;
	[tilespmem:$0x1F800] =	vst v63  }
0x44: {  	_ =	swait.ge [sflag:s22], $0x4000  }
0x45: {  	[sflag:s22] =	ssyncset.done $0x0  }
0x46: {  	s23 =	rddreg [dreg:$0x8];
	[sflag:s22] =	ssyncadd.s32 $0xFFFFC000  }
0x47: {  	[spmem:s23] =	stream.linear.scatter [tilespmem:s20], [sflag:$0x5], $0x2000, $0x38;
	[tilespmem:$0x1F800] =	vst v63  }
0x48: {  	_ =	swait.ge [sflag:s22], $0x2000  }
0x49: {  	[sflag:s22] =	ssyncset.done $0x0  }
0x4a: {  	[sflag:s22] =	ssyncadd.s32 $0xFFFFE000  }
0x4b: {  	[spmem:s18] =	stream.linear.scatter [tilespmem:s20], [sflag:$0x5], $0x1400, $0x38;
	[tilespmem:$0x1F800] =	vst v63  }
0x4c: {  	_ =	swait.ge [sflag:s22], $0x1400  }
0x4d: {  	s13 =	simm.s32 @!p0 $0x10300;
	[sflag:s22] =	ssyncset.done $0x0  }
0x4e: {  	s14 =	simm.s32 @!p0 $0x5;
	s11 =	rddreg [dreg:$0xa];
	[sflag:s22] =	ssyncadd.s32 $0xFFFFEC00  }
0x4f: {  	[spmem:s11] =	stream.linear.scatter @!p0 [tilespmem:s13], [sflag:$0x5], $0x400, $0x38;
	[tilespmem:$0x1F800] =	vst v63  }
0x50: {  	_ =	swait.ge @!p0 [sflag:s14], $0x400  }
0x51: {  	[sflag:s14] =	ssyncset.done @!p0 $0x0  }
0x52: {  	s11 =	rddreg [dreg:$0xb];
	[sflag:s14] =	ssyncadd.s32 @!p0 $0xFFFFFC00  }
0x53: {  	[spmem:s11] =	stream.linear.scatter @!p0 [tilespmem:s13], [sflag:$0x5], $0x400, $0x38;
	[tilespmem:$0x1F800] =	vst v63  }
0x54: {  	_ =	swait.ge @!p0 [sflag:s14], $0x400  }
0x55: {  	[sflag:s14] =	ssyncset.done @!p0 $0x0  }
0x56: {  	[sflag:s14] =	ssyncadd.s32 @!p0 $0xFFFFFC00  }
0x57: {  	[bflag:$0x0] =	sbarrier.arrive $0xFFFF  }
0x58: {  	v3 =	vld [tilespmem:$0x14300]  }
0x59: {  	v4 =	vld [tilespmem:$0x14310]  }
0x5a: {  	v5 =	vld [tilespmem:$0x14320]  }
0x5b: {  	v6 =	vld [tilespmem:$0x14330]  }
0x5c: {  	v7 =	vld [tilespmem:$0x14340]  }
0x5d: {  	v8 =	vld [tilespmem:$0x14350]  }
0x5e: {  	v9 =	vld [tilespmem:$0x14360]  }
0x5f: {  	s16 =	simm.s32 $0x0;
	s13 =	simm.s32 $0x0;
	v10 =	vld [tilespmem:$0x14370]  }
.LBB2_4:
0x60: {  	s14 =	sshll.u32 s16, $0x7  }
0x61: {  	s14 =	sadd.s32 s15, s14  }
0x62: {  	s14 =	sshrl.u32 s14, $0x3  }
0x63: {  	s17 =	sadd.s32 s8, s14  }
0x64: {  	[tilespmem:s13], [sflag:$0x5] =	stream.linear.gather [hbm4b:s17+s13], $0x80, $0x38;
	[tilespmem:$0x1F800] =	vst v63  }
0x65: {  	_ =	swait.ge [sflag:s22], $0x80  }
0x66: {  	[sflag:s22] =	ssyncset.done $0x0  }
0x67: {  	s23 =	sadd.s32 s9, s14;
	[sflag:s22] =	ssyncadd.s32 $0xFFFFFF80  }
0x68: {  	[tilespmem:s24], [sflag:$0x5] =	stream.linear.gather [hbm4b:s23+s13], $0x80, $0x38;
	[tilespmem:$0x1F800] =	vst v63  }
0x69: {  	_ =	swait.ge [sflag:s22], $0x80  }
0x6a: {  	[sflag:s22] =	ssyncset.done $0x0  }
0x6b: {  	s14 =	sadd.s32 s1, s14;
	[sflag:s22] =	ssyncadd.s32 $0xFFFFFF80  }
0x6c: {  	[tilespmem:s25], [sflag:$0x5] =	stream.linear.gather [hbm4b:s14+s13], $0x90, $0x38;
	[tilespmem:$0x1F800] =	vst v63  }
0x6d: {  	_ =	swait.ge [sflag:s22], $0x90  }
0x6e: {  	[sflag:s22] =	ssyncset.done $0x0  }
0x6f: {  	[sflag:s22] =	ssyncadd.s32 $0xFFFFFF70  }
0x70: {  	[tilespmem:s26], [sflag:$0x1] =	stream.indirect.gather [hbm4b:s6+s24], $0x80, s13, s24, $0xb8;
	[tilespmem:$0x1F800] =	vst v63  }
0x71: {  	_ = 	snop  }
0x72: {  	[tilespmem:s28], [sflag:$0x2] =	stream.indirect.gather [hbm4b:s7+s24], $0x80, s24, s24, $0xb8;
	[tilespmem:$0x1F800] =	vst v63  }
0x73: {  	v11 =	vld [tilespmem:$0x80];
	_ =	sdelay $0x1  }
0x74: {  	v12 =	vld [tilespmem:$0x90];
	_ =	sdelay $0x1  }
0x75: {  	v13 =	vld [tilespmem:$0xA0]  }
0x76: {  	v14 =	vsub.s32 v11, v0;
	v11 =	vshrl.u32 v11, $0x3  }
0x77: {  	v15 =	vld [tilespmem:$0xB0];
	v14 =	vmin.u32 v14, $0x1400;
	v11 =	vsub.s32 v11, v1  }
0x78: {  	v45 =	vsub.s32 v12, v0;
	v12 =	vshrl.u32 v12, $0x3;
	[tilespmem:$0x200] =	vst v14;
	v11 =	vmin.u32 v11, $0x280  }
0x79: {  	v46 =	vld [tilespmem:$0xC0];
	v12 =	vsub.s32 v12, v1;
	[tilespmem:$0x280] =	vst v11;
	v11 =	vmin.u32 v45, $0x1400  }
0x7a: {  	v47 =	vsub.s32 v13, v0;
	v13 =	vshrl.u32 v13, $0x3;
	[tilespmem:$0x210] =	vst v11;
	v11 =	vmin.u32 v12, $0x280  }
0x7b: {  	v49 =	vld [tilespmem:$0xD0];
	v48 =	vsub.s32 v13, v1;
	[tilespmem:$0x290] =	vst v11;
	v11 =	vmin.u32 v47, $0x1400  }
0x7c: {  	v50 =	vsub.s32 v15, v0;
	v15 =	vshrl.u32 v15, $0x3;
	[tilespmem:$0x220] =	vst v11;
	v11 =	vmin.u32 v48, $0x280  }
0x7d: {  	v52 =	vld [tilespmem:$0xE0];
	v51 =	vsub.s32 v15, v1;
	[tilespmem:$0x2A0] =	vst v11;
	v11 =	vmin.u32 v50, $0x1400  }
0x7e: {  	v53 =	vsub.s32 v46, v0;
	v14 =	vshrl.u32 v46, $0x3;
	[tilespmem:$0x230] =	vst v11;
	v11 =	vmin.u32 v51, $0x280  }
0x7f: {  	v55 =	vld [tilespmem:$0xF0];
	v54 =	vsub.s32 v14, v1;
	[tilespmem:$0x2B0] =	vst v11;
	v11 =	vmin.u32 v53, $0x1400  }
0x80: {  	v56 =	vsub.s32 v49, v0;
	v13 =	vshrl.u32 v49, $0x3;
	[tilespmem:$0x240] =	vst v11;
	v11 =	vmin.u32 v54, $0x280  }
0x81: {  	v57 =	vsub.s32 v13, v1;
	[tilespmem:$0x2C0] =	vst v11;
	v11 =	vmin.u32 v56, $0x1400  }
0x82: {  	v58 =	vsub.s32 v52, v0;
	v59 =	vshrl.u32 v52, $0x3;
	[tilespmem:$0x250] =	vst v11;
	v11 =	vmin.u32 v57, $0x280  }
0x83: {  	v60 =	vsub.s32 v59, v1;
	[tilespmem:$0x2D0] =	vst v11;
	v11 =	vmin.u32 v58, $0x1400  }
0x84: {  	v61 =	vsub.s32 v55, v0;
	v62 =	vshrl.u32 v55, $0x3;
	[tilespmem:$0x260] =	vst v11;
	v11 =	vmin.u32 v60, $0x280  }
0x85: {  	v63 =	vsub.s32 v62, v1;
	[tilespmem:$0x2E0] =	vst v11;
	v11 =	vmin.u32 v61, $0x1400  }
0x86: {  	[tilespmem:$0x270] =	vst v11;
	v11 =	vmin.u32 v63, $0x280  }
0x87: {  	[tilespmem:$0x2F0] =	vst v11  }
0x88: {  	_ =	swait.ge [sflag:s29], $0x4000  }
0x89: {  	[sflag:s29] =	ssyncset.done $0x0  }
0x8a: {  	[sflag:s29] =	ssyncadd.s32 $0xFFFFC000  }
0x8b: {  	_ =	swait.ge [sflag:s30], $0x4000  }
0x8c: {  	s18 =	simm.s32 $0x102;
	[sflag:s30] =	ssyncset.done $0x0  }
0x8d: {  	s19 =	simm.s32 $0x0;
	s17 =	simm.s32 $0xFFFFFFFC;
	[sflag:s30] =	ssyncadd.s32 $0xFFFFC000  }
.LBB2_5:
0x8e: {  	s20 =	sshra.s32 s19, $0x2  }
0x8f: {  	v11 =	vld [tilespmem:s20+$0x300]  }
0x90: {  	v12 =	vld [tilespmem:s20+$0x4300]  }
0x91: {  	v13 =	vld [tilespmem:s20+$0x310]  }
0x92: {  	v14 =	vld [tilespmem:s20+$0x4310]  }
0x93: {  	v15 =	vld [tilespmem:s20+$0x320]  }
0x94: {  	v16 =	vld [tilespmem:s20+$0x4320]  }
0x95: {  	v17 =	vld [tilespmem:s20+$0x330];
	v12 =	vadd.f32 v12, v11  }
0x96: {  	v18 =	vld [tilespmem:s20+$0x4330]  }
0x97: {  	v20 =	vld [tilespmem:s20+$0x340];
	v14 =	vadd.f32 v14, v13;
	v19 =	vmul.f32 $2.000000030e-01, v12  }
0x98: {  	v21 =	vld [tilespmem:s20+$0x4340]  }
0x99: {  	v22 =	vld [tilespmem:s20+$0x350];
	v16 =	vadd.f32 v16, v15;
	v53 =	vmul.f32 $2.000000030e-01, v14;
	v12 =	vmax.f32 v12, v19  }
0x9a: {  	v23 =	vld [tilespmem:s20+$0x4350];
	v12 =	vmul.f32 v12, v3  }
0x9b: {  	v24 =	vld [tilespmem:s20+$0x360];
	v18 =	vadd.f32 v18, v17;
	v54 =	vmul.f32 $2.000000030e-01, v16;
	v14 =	vmax.f32 v14, v53  }
0x9c: {  	v25 =	vld [tilespmem:s20+$0x4360];
	v14 =	vmul.f32 v14, v4;
	v12 =	vadd.f32 $0.0e+00, v12  }
0x9d: {  	v26 =	vld [tilespmem:s20+$0x370];
	v21 =	vadd.f32 v21, v20;
	v55 =	vmul.f32 $2.000000030e-01, v18;
	v16 =	vmax.f32 v16, v54  }
0x9e: {  	v57 =	vld [tilespmem:s20+$0x4370];
	v56 =	vmul.f32 v16, v5;
	v12 =	vadd.f32 v14, v12  }
0x9f: {  	v23 =	vadd.f32 v23, v22;
	v58 =	vmul.f32 $2.000000030e-01, v21;
	v18 =	vmax.f32 v18, v55  }
0xa0: {  	v59 =	vmul.f32 v18, v6;
	v12 =	vadd.f32 v56, v12  }
0xa1: {  	v62 =	vadd.f32 v25, v24;
	v61 =	vmul.f32 $2.000000030e-01, v23;
	v60 =	vmax.f32 v21, v58  }
0xa2: {  	v63 =	vmul.f32 v60, v7;
	v12 =	vadd.f32 v59, v12  }
0xa3: {  	v25 =	vmul.f32 $2.000000030e-01, v62;
	v23 =	vmax.f32 v23, v61;
	v16 =	vadd.f32 v57, v26  }
0xa4: {  	v27 =	vmul.f32 v23, v8;
	v12 =	vadd.f32 v63, v12  }
0xa5: {  	v28 =	vmax.f32 v62, v25;
	v29 =	vmul.f32 $2.000000030e-01, v16  }
0xa6: {  	v30 =	vmul.f32 v28, v9;
	v12 =	vadd.f32 v27, v12  }
0xa7: {  	v16 =	vmax.f32 v16, v29  }
0xa8: {  	v31 =	vmul.f32 v16, v10;
	v12 =	vadd.f32 v30, v12;
	_ =	sdelay $0x1  }
0xa9: {  	v12 =	vadd.f32 v31, v12;
	_ =	sdelay $0x1  }
0xaa: {  	(xrf2) =	vadd.scan.msk.f32 $0xffff, v12;
	_ =	sdelay $0x9  }
0xab: {  	v12, _, _ =	vpop (xrf2)  }
0xac: {  	v12 =	vmul.f32 $1.442695020e+00, v12;
	_ =	sdelay $0x1  }
0xad: {  	v12 =	vbroadcast v12, $0xF;
	_ =	sdelay $0x1  }
0xae: {  	(erf) = vpow2.f32 v12;
	_ =	sdelay $0x8  }
0xaf: {  	v12 =	vpop (erf)  }
0xb0: {  	v11 =	vmul.f32 v12, v11  }
0xb1: {  	v13 =	vmul.f32 v12, v13  }
0xb2: {  	v32 =	vmul.f32 v12, v17;
	[tilespmem:s20+$0x8300] =	vst v11  }
0xb3: {  	v11 =	vmul.f32 v12, v15;
	[tilespmem:s20+$0x8310] =	vst v13  }
0xb4: {  	v33 =	vmul.f32 v12, v22;
	[tilespmem:s20+$0x8330] =	vst v32  }
0xb5: {  	[tilespmem:s20+$0x8320] =	vst v11;
	v11 =	vmul.f32 v12, v20  }
0xb6: {  	v34 =	vmul.f32 v12, v26;
	[tilespmem:s20+$0x8350] =	vst v33  }
0xb7: {  	[tilespmem:s20+$0x8340] =	vst v11;
	v11 =	vmul.f32 v12, v24  }
0xb8: {  	[tilespmem:s20+$0x8370] =	vst v34  }
0xb9: {  	[tilespmem:s20+$0x8360] =	vst v11  }
0xba: {  	v11 =	vld [tilespmem:s18+$0xFFFFFFFE];
	_ =	sdelay $0x4  }
0xbb: {  	(v2sf) =	vpush v11, $0x0;
	_ =	sdelay $0xe  }
0xbc: {  	s14 =	spop (v2sf)  }
0xbd: {  	s23 =	sshra.s32 s14, $0x1F  }
0xbe: {  	s23 =	sshrl.u32 s23, $0x1D  }
0xbf: {  	[tilespmem:s20+$0xC300] =	vst v2;
	s23 =	sadd.s32 s23, s14  }
0xc0: {  	[tilespmem:s20+$0xC310] =	vst v2;
	s23 =	sand.u32 $0xFFFFFFF8, s23  }
0xc1: {  	[tilespmem:s20+$0xC320] =	vst v2;
	s14 =	ssub.s32 s14, s23  }
0xc2: {  	[tilespmem:s20+$0xC330] =	vst v2;
	s23 =	sshll.u32 s14, $0x6;
	s14 =	sand.u32 $0x7, s14  }
0xc3: {  	[tilespmem:s20+$0xC340] =	vst v2;
	s23 =	sand.u32 $0xFFFFFE00, s23;
	s14 =	sshll.u32 s14, $0x6  }
0xc4: {  	[tilespmem:s20+$0xC350] =	vst v2;
	s14 =	sor.u32 s14, s23  }
0xc5: {  	[tilespmem:s20+$0xC360] =	vst v2;
	s14 =	sshra.s32 s14, $0x2  }
0xc6: {  	[tilespmem:s20+$0xC370] =	vst v2;
	v11 =	vnsel vm0, $0x0, v12;
	s14 =	sadd.s32 s20, s14  }
0xc7: {  	[tilespmem:s14+$0xC300] =	vst v11  }
0xc8: {  	v11 =	vld [tilespmem:s20+$0x380]  }
0xc9: {  	v35 =	vld [tilespmem:s20+$0x4380]  }
0xca: {  	v36 =	vld [tilespmem:s20+$0x390]  }
0xcb: {  	v37 =	vld [tilespmem:s20+$0x4390]  }
0xcc: {  	v38 =	vld [tilespmem:s20+$0x3A0]  }
0xcd: {  	v39 =	vld [tilespmem:s20+$0x43A0]  }
0xce: {  	v40 =	vld [tilespmem:s20+$0x3B0];
	v12 =	vadd.f32 v35, v11  }
0xcf: {  	v41 =	vld [tilespmem:s20+$0x43B0]  }
0xd0: {  	v43 =	vld [tilespmem:s20+$0x3C0];
	v14 =	vadd.f32 v37, v36;
	v42 =	vmul.f32 $2.000000030e-01, v12  }
0xd1: {  	v44 =	vld [tilespmem:s20+$0x43C0]  }
0xd2: {  	v46 =	vld [tilespmem:s20+$0x3D0];
	v16 =	vadd.f32 v39, v38;
	v45 =	vmul.f32 $2.000000030e-01, v14;
	v12 =	vmax.f32 v12, v42  }
0xd3: {  	v47 =	vld [tilespmem:s20+$0x43D0];
	v12 =	vmul.f32 v12, v3  }
0xd4: {  	v49 =	vld [tilespmem:s20+$0x3E0];
	v18 =	vadd.f32 v41, v40;
	v48 =	vmul.f32 $2.000000030e-01, v16;
	v14 =	vmax.f32 v14, v45  }
0xd5: {  	v50 =	vld [tilespmem:s20+$0x43E0];
	v14 =	vmul.f32 v14, v4;
	v12 =	vadd.f32 $0.0e+00, v12  }
0xd6: {  	v52 =	vld [tilespmem:s20+$0x3F0];
	v21 =	vadd.f32 v44, v43;
	v51 =	vmul.f32 $2.000000030e-01, v18;
	v16 =	vmax.f32 v16, v48  }
0xd7: {  	v54 =	vld [tilespmem:s20+$0x43F0];
	v53 =	vmul.f32 v16, v5;
	v12 =	vadd.f32 v14, v12  }
0xd8: {  	v23 =	vadd.f32 v47, v46;
	v55 =	vmul.f32 $2.000000030e-01, v21;
	v18 =	vmax.f32 v18, v51  }
0xd9: {  	v56 =	vmul.f32 v18, v6;
	v12 =	vadd.f32 v53, v12  }
0xda: {  	v59 =	vadd.f32 v50, v49;
	v58 =	vmul.f32 $2.000000030e-01, v23;
	v57 =	vmax.f32 v21, v55  }
0xdb: {  	v60 =	vmul.f32 v57, v7;
	v12 =	vadd.f32 v56, v12  }
0xdc: {  	v62 =	vmul.f32 $2.000000030e-01, v59;
	v61 =	vmax.f32 v23, v58;
	v16 =	vadd.f32 v54, v52  }
0xdd: {  	v63 =	vmul.f32 v61, v8;
	v12 =	vadd.f32 v60, v12  }
0xde: {  	v23 =	vmax.f32 v59, v62;
	v25 =	vmul.f32 $2.000000030e-01, v16  }
0xdf: {  	v27 =	vmul.f32 v23, v9;
	v12 =	vadd.f32 v63, v12  }
0xe0: {  	v16 =	vmax.f32 v16, v25  }
0xe1: {  	v28 =	vmul.f32 v16, v10;
	v12 =	vadd.f32 v27, v12;
	_ =	sdelay $0x1  }
0xe2: {  	v12 =	vadd.f32 v28, v12;
	_ =	sdelay $0x1  }
0xe3: {  	(xrf2) =	vadd.scan.msk.f32 $0xffff, v12;
	_ =	sdelay $0x9  }
0xe4: {  	v12, _, _ =	vpop (xrf2)  }
0xe5: {  	v12 =	vmul.f32 $1.442695020e+00, v12;
	_ =	sdelay $0x1  }
0xe6: {  	v12 =	vbroadcast v12, $0xF;
	_ =	sdelay $0x1  }
0xe7: {  	(erf) = vpow2.f32 v12;
	_ =	sdelay $0x8  }
0xe8: {  	v12 =	vpop (erf)  }
0xe9: {  	v11 =	vmul.f32 v12, v11  }
0xea: {  	v13 =	vmul.f32 v12, v36  }
0xeb: {  	v29 =	vmul.f32 v12, v40;
	[tilespmem:s20+$0x8380] =	vst v11  }
0xec: {  	v11 =	vmul.f32 v12, v38;
	[tilespmem:s20+$0x8390] =	vst v13  }
0xed: {  	v30 =	vmul.f32 v12, v46;
	[tilespmem:s20+$0x83B0] =	vst v29  }
0xee: {  	[tilespmem:s20+$0x83A0] =	vst v11;
	v11 =	vmul.f32 v12, v43  }
0xef: {  	v31 =	vmul.f32 v12, v52;
	[tilespmem:s20+$0x83D0] =	vst v30  }
0xf0: {  	[tilespmem:s20+$0x83C0] =	vst v11;
	v11 =	vmul.f32 v12, v49  }
0xf1: {  	[tilespmem:s20+$0x83F0] =	vst v31  }
0xf2: {  	[tilespmem:s20+$0x83E0] =	vst v11  }
0xf3: {  	v11 =	vld [tilespmem:s18+$0xFFFFFFFF];
	_ =	sdelay $0x4  }
0xf4: {  	(v2sf) =	vpush v11, $0x0;
	_ =	sdelay $0xe  }
0xf5: {  	s14 =	spop (v2sf)  }
0xf6: {  	s11 =	sshra.s32 s14, $0x1F  }
0xf7: {  	s23 =	sshrl.u32 s11, $0x1D  }
0xf8: {  	[tilespmem:s20+$0xC380] =	vst v2;
	s23 =	sadd.s32 s23, s14  }
0xf9: {  	[tilespmem:s20+$0xC390] =	vst v2;
	s23 =	sand.u32 $0xFFFFFFF8, s23  }
0xfa: {  	[tilespmem:s20+$0xC3A0] =	vst v2;
	s14 =	ssub.s32 s14, s23  }
0xfb: {  	[tilespmem:s20+$0xC3B0] =	vst v2;
	s23 =	sshll.u32 s14, $0x6;
	s14 =	sand.u32 $0x7, s14  }
0xfc: {  	[tilespmem:s20+$0xC3C0] =	vst v2;
	s23 =	sand.u32 $0xFFFFFE00, s23;
	s14 =	sshll.u32 s14, $0x6  }
0xfd: {  	[tilespmem:s20+$0xC3D0] =	vst v2;
	s23 =	sor.u32 s14, s23  }
0xfe: {  	[tilespmem:s20+$0xC3E0] =	vst v2;
	s14 =	sadd.s32 $0xC300, s20;
	s23 =	sshra.s32 s23, $0x2  }
0xff: {  	[tilespmem:s20+$0xC3F0] =	vst v2;
	v11 =	vnsel vm0, $0x0, v12;
	s23 =	sadd.s32 s23, s14  }
0x100: {  	[tilespmem:s23+$0x80] =	vst v11  }
0x101: {  	v11 =	vld [tilespmem:s20+$0x400]  }
0x102: {  	v32 =	vld [tilespmem:s20+$0x4400]  }
0x103: {  	v33 =	vld [tilespmem:s20+$0x410]  }
0x104: {  	v34 =	vld [tilespmem:s20+$0x4410]  }
0x105: {  	v35 =	vld [tilespmem:s20+$0x420]  }
0x106: {  	v36 =	vld [tilespmem:s20+$0x4420]  }
0x107: {  	v37 =	vld [tilespmem:s20+$0x430];
	v12 =	vadd.f32 v32, v11  }
0x108: {  	v38 =	vld [tilespmem:s20+$0x4430]  }
0x109: {  	v40 =	vld [tilespmem:s20+$0x440];
	v14 =	vadd.f32 v34, v33;
	v39 =	vmul.f32 $2.000000030e-01, v12  }
0x10a: {  	v41 =	vld [tilespmem:s20+$0x4440]  }
0x10b: {  	v43 =	vld [tilespmem:s20+$0x450];
	v16 =	vadd.f32 v36, v35;
	v42 =	vmul.f32 $2.000000030e-01, v14;
	v12 =	vmax.f32 v12, v39  }
0x10c: {  	v44 =	vld [tilespmem:s20+$0x4450];
	v12 =	vmul.f32 v12, v3  }
0x10d: {  	v46 =	vld [tilespmem:s20+$0x460];
	v18 =	vadd.f32 v38, v37;
	v45 =	vmul.f32 $2.000000030e-01, v16;
	v14 =	vmax.f32 v14, v42  }
0x10e: {  	v47 =	vld [tilespmem:s20+$0x4460];
	v14 =	vmul.f32 v14, v4;
	v12 =	vadd.f32 $0.0e+00, v12  }
0x10f: {  	v49 =	vld [tilespmem:s20+$0x470];
	v21 =	vadd.f32 v41, v40;
	v48 =	vmul.f32 $2.000000030e-01, v18;
	v16 =	vmax.f32 v16, v45  }
0x110: {  	v51 =	vld [tilespmem:s20+$0x4470];
	v50 =	vmul.f32 v16, v5;
	v12 =	vadd.f32 v14, v12  }
0x111: {  	v23 =	vadd.f32 v44, v43;
	v52 =	vmul.f32 $2.000000030e-01, v21;
	v18 =	vmax.f32 v18, v48  }
0x112: {  	v53 =	vmul.f32 v18, v6;
	v12 =	vadd.f32 v50, v12  }
0x113: {  	v56 =	vadd.f32 v47, v46;
	v55 =	vmul.f32 $2.000000030e-01, v23;
	v54 =	vmax.f32 v21, v52  }
0x114: {  	v57 =	vmul.f32 v54, v7;
	v12 =	vadd.f32 v53, v12  }
0x115: {  	v59 =	vmul.f32 $2.000000030e-01, v56;
	v58 =	vmax.f32 v23, v55;
	v16 =	vadd.f32 v51, v49  }
0x116: {  	v60 =	vmul.f32 v58, v8;
	v12 =	vadd.f32 v57, v12  }
0x117: {  	v61 =	vmax.f32 v56, v59;
	v62 =	vmul.f32 $2.000000030e-01, v16  }
0x118: {  	v63 =	vmul.f32 v61, v9;
	v12 =	vadd.f32 v60, v12  }
0x119: {  	v16 =	vmax.f32 v16, v62  }
0x11a: {  	v21 =	vmul.f32 v16, v10;
	v12 =	vadd.f32 v63, v12;
	_ =	sdelay $0x1  }
0x11b: {  	v12 =	vadd.f32 v21, v12;
	_ =	sdelay $0x1  }
0x11c: {  	(xrf2) =	vadd.scan.msk.f32 $0xffff, v12;
	_ =	sdelay $0x9  }
0x11d: {  	v12, _, _ =	vpop (xrf2)  }
0x11e: {  	v12 =	vmul.f32 $1.442695020e+00, v12;
	_ =	sdelay $0x1  }
0x11f: {  	v12 =	vbroadcast v12, $0xF;
	_ =	sdelay $0x1  }
0x120: {  	(erf) = vpow2.f32 v12;
	_ =	sdelay $0x8  }
0x121: {  	v12 =	vpop (erf)  }
0x122: {  	v11 =	vmul.f32 v12, v11  }
0x123: {  	v13 =	vmul.f32 v12, v33  }
0x124: {  	v23 =	vmul.f32 v12, v37;
	[tilespmem:s20+$0x8400] =	vst v11  }
0x125: {  	v11 =	vmul.f32 v12, v35;
	[tilespmem:s20+$0x8410] =	vst v13  }
0x126: {  	v25 =	vmul.f32 v12, v43;
	[tilespmem:s20+$0x8430] =	vst v23  }
0x127: {  	[tilespmem:s20+$0x8420] =	vst v11;
	v11 =	vmul.f32 v12, v40  }
0x128: {  	v27 =	vmul.f32 v12, v49;
	[tilespmem:s20+$0x8450] =	vst v25  }
0x129: {  	[tilespmem:s20+$0x8440] =	vst v11;
	v11 =	vmul.f32 v12, v46  }
0x12a: {  	[tilespmem:s20+$0x8470] =	vst v27  }
0x12b: {  	[tilespmem:s20+$0x8460] =	vst v11  }
0x12c: {  	v11 =	vld [tilespmem:s18+$0x0];
	_ =	sdelay $0x4  }
0x12d: {  	(v2sf) =	vpush v11, $0x0;
	_ =	sdelay $0xe  }
0x12e: {  	s23 =	spop (v2sf)  }
0x12f: {  	s11 =	sshra.s32 s23, $0x1F  }
0x130: {  	s11 =	sshrl.u32 s11, $0x1D  }
0x131: {  	[tilespmem:s20+$0xC400] =	vst v2;
	s11 =	sadd.s32 s11, s23  }
0x132: {  	[tilespmem:s20+$0xC410] =	vst v2;
	s11 =	sand.u32 $0xFFFFFFF8, s11  }
0x133: {  	[tilespmem:s20+$0xC420] =	vst v2;
	s11 =	ssub.s32 s23, s11  }
0x134: {  	[tilespmem:s20+$0xC430] =	vst v2;
	s23 =	sshll.u32 s11, $0x6;
	s11 =	sand.u32 $0x7, s11  }
0x135: {  	[tilespmem:s20+$0xC440] =	vst v2;
	s23 =	sand.u32 $0xFFFFFE00, s23;
	s11 =	sshll.u32 s11, $0x6  }
0x136: {  	[tilespmem:s20+$0xC450] =	vst v2;
	s11 =	sor.u32 s11, s23  }
0x137: {  	[tilespmem:s20+$0xC460] =	vst v2;
	s11 =	sshra.s32 s11, $0x2  }
0x138: {  	[tilespmem:s20+$0xC470] =	vst v2;
	v11 =	vnsel vm0, $0x0, v12;
	s11 =	sadd.s32 s11, s14  }
0x139: {  	[tilespmem:s11+$0x100] =	vst v11  }
0x13a: {  	v11 =	vld [tilespmem:s20+$0x480]  }
0x13b: {  	v28 =	vld [tilespmem:s20+$0x4480]  }
0x13c: {  	v29 =	vld [tilespmem:s20+$0x490]  }
0x13d: {  	v30 =	vld [tilespmem:s20+$0x4490]  }
0x13e: {  	v31 =	vld [tilespmem:s20+$0x4A0]  }
0x13f: {  	v32 =	vld [tilespmem:s20+$0x44A0]  }
0x140: {  	v33 =	vld [tilespmem:s20+$0x4B0];
	v12 =	vadd.f32 v28, v11  }
0x141: {  	v34 =	vld [tilespmem:s20+$0x44B0]  }
0x142: {  	v36 =	vld [tilespmem:s20+$0x4C0];
	v14 =	vadd.f32 v30, v29;
	v35 =	vmul.f32 $2.000000030e-01, v12  }
0x143: {  	v37 =	vld [tilespmem:s20+$0x44C0]  }
0x144: {  	v39 =	vld [tilespmem:s20+$0x4D0];
	v16 =	vadd.f32 v32, v31;
	v38 =	vmul.f32 $2.000000030e-01, v14;
	v12 =	vmax.f32 v12, v35  }
0x145: {  	v40 =	vld [tilespmem:s20+$0x44D0];
	v12 =	vmul.f32 v12, v3  }
0x146: {  	v42 =	vld [tilespmem:s20+$0x4E0];
	v18 =	vadd.f32 v34, v33;
	v41 =	vmul.f32 $2.000000030e-01, v16;
	v14 =	vmax.f32 v14, v38  }
0x147: {  	v43 =	vld [tilespmem:s20+$0x44E0];
	v14 =	vmul.f32 v14, v4;
	v12 =	vadd.f32 $0.0e+00, v12  }
0x148: {  	v45 =	vld [tilespmem:s20+$0x4F0];
	v21 =	vadd.f32 v37, v36;
	v44 =	vmul.f32 $2.000000030e-01, v18;
	v16 =	vmax.f32 v16, v41  }
0x149: {  	v47 =	vld [tilespmem:s20+$0x44F0];
	v46 =	vmul.f32 v16, v5;
	v12 =	vadd.f32 v14, v12  }
0x14a: {  	v23 =	vadd.f32 v40, v39;
	v48 =	vmul.f32 $2.000000030e-01, v21;
	v18 =	vmax.f32 v18, v44  }
0x14b: {  	v49 =	vmul.f32 v18, v6;
	v12 =	vadd.f32 v46, v12  }
0x14c: {  	v52 =	vadd.f32 v43, v42;
	v51 =	vmul.f32 $2.000000030e-01, v23;
	v50 =	vmax.f32 v21, v48  }
0x14d: {  	v53 =	vmul.f32 v50, v7;
	v12 =	vadd.f32 v49, v12  }
0x14e: {  	v55 =	vmul.f32 $2.000000030e-01, v52;
	v54 =	vmax.f32 v23, v51;
	v16 =	vadd.f32 v47, v45  }
0x14f: {  	v56 =	vmul.f32 v54, v8;
	v12 =	vadd.f32 v53, v12  }
0x150: {  	v57 =	vmax.f32 v52, v55;
	v58 =	vmul.f32 $2.000000030e-01, v16  }
0x151: {  	v59 =	vmul.f32 v57, v9;
	v12 =	vadd.f32 v56, v12  }
0x152: {  	v16 =	vmax.f32 v16, v58  }
0x153: {  	v60 =	vmul.f32 v16, v10;
	v12 =	vadd.f32 v59, v12;
	_ =	sdelay $0x1  }
0x154: {  	v12 =	vadd.f32 v60, v12;
	_ =	sdelay $0x1  }
0x155: {  	(xrf2) =	vadd.scan.msk.f32 $0xffff, v12;
	_ =	sdelay $0x9  }
0x156: {  	v12, _, _ =	vpop (xrf2)  }
0x157: {  	v12 =	vmul.f32 $1.442695020e+00, v12;
	_ =	sdelay $0x1  }
0x158: {  	v12 =	vbroadcast v12, $0xF;
	_ =	sdelay $0x1  }
0x159: {  	(erf) = vpow2.f32 v12;
	_ =	sdelay $0x8  }
0x15a: {  	v12 =	vpop (erf)  }
0x15b: {  	v11 =	vmul.f32 v12, v11  }
0x15c: {  	v13 =	vmul.f32 v12, v29  }
0x15d: {  	v61 =	vmul.f32 v12, v33;
	[tilespmem:s20+$0x8480] =	vst v11  }
0x15e: {  	v11 =	vmul.f32 v12, v31;
	[tilespmem:s20+$0x8490] =	vst v13  }
0x15f: {  	v62 =	vmul.f32 v12, v39;
	[tilespmem:s20+$0x84B0] =	vst v61  }
0x160: {  	[tilespmem:s20+$0x84A0] =	vst v11;
	v11 =	vmul.f32 v12, v36  }
0x161: {  	v63 =	vmul.f32 v12, v45;
	[tilespmem:s20+$0x84D0] =	vst v62  }
0x162: {  	[tilespmem:s20+$0x84C0] =	vst v11;
	v11 =	vmul.f32 v12, v42  }
0x163: {  	[tilespmem:s20+$0x84F0] =	vst v63  }
0x164: {  	[tilespmem:s20+$0x84E0] =	vst v11  }
0x165: {  	v11 =	vld [tilespmem:s18+$0x1];
	_ =	sdelay $0x4  }
0x166: {  	(v2sf) =	vpush v11, $0x0;
	_ =	sdelay $0xe  }
0x167: {  	s11 =	spop (v2sf)  }
0x168: {  	s23 =	sshra.s32 s11, $0x1F  }
0x169: {  	s23 =	sshrl.u32 s23, $0x1D  }
0x16a: {  	[tilespmem:s20+$0xC480] =	vst v2;
	s23 =	sadd.s32 s23, s11  }
0x16b: {  	[tilespmem:s20+$0xC490] =	vst v2;
	s23 =	sand.u32 $0xFFFFFFF8, s23  }
0x16c: {  	s17 =	sadd.s32 $0x4, s17;
	[tilespmem:s20+$0xC4A0] =	vst v2;
	s11 =	ssub.s32 s11, s23  }
0x16d: {  	p1 =	slt.u32 s17, $0x7C;
	[tilespmem:s20+$0xC4B0] =	vst v2;
	s23 =	sshll.u32 s11, $0x6;
	s11 =	sand.u32 $0x7, s11  }
.Ltmp1:
0x16e: {  	[tilespmem:s20+$0xC4C0] =	vst v2;
	s23 =	sand.u32 $0xFFFFFE00, s23;
	s11 =	sshll.u32 s11, $0x6;
	(pc) =	sbr.rel @p1 .LBB2_5-.Ltmp1, $4  }
0x16f: {  	[tilespmem:s20+$0xC4D0] =	vst v2;
	s11 =	sor.u32 s11, s23  }
0x170: {  	[tilespmem:s20+$0xC4E0] =	vst v2;
	s11 =	sshra.s32 s11, $0x2  }
0x171: {  	[tilespmem:s20+$0xC4F0] =	vst v2;
	v11 =	vnsel vm0, $0x0, v12;
	s11 =	sadd.s32 s11, s14  }
0x172: {  	s19 =	sadd.s32 $0x800, s19;
	s18 =	sadd.s32 $0x4, s18;
	[tilespmem:s11+$0x180] =	vst v11  }
0x173: {  	[spmem:s2] =	stream.indirect.scatter.add.f32 [tilespmem:s0], [sflag:$0x3], $0x80, s31, s24, $0xb8;
	[tilespmem:$0x1F800] =	vst v63  }
0x174: {  	s16 =	sadd.s32 $0x1, s16  }
0x175: {  	[spmem:s3] =	stream.indirect.scatter.add.f32 [tilespmem:s21], [sflag:$0x4], $0x80, s5, s24, $0xb8;
	[tilespmem:$0x1F800] =	vst v63  }
0x176: {  	p1 =	sne.s32 s16, $0xA2;
	_ =	swait.ge [sflag:s4], $0x4000  }
.Ltmp2:
0x177: {  	[sflag:s4] =	ssyncset.done $0x0;
	(pc) =	sbr.rel @p1 .LBB2_4-.Ltmp2, $4  }
0x178: {  	[sflag:s4] =	ssyncadd.s32 $0xFFFFC000  }
0x179: {  	_ =	swait.ge [sflag:s10], $0x4000  }
0x17a: {  	[sflag:s10] =	ssyncset.done $0x0  }
0x17b: {  	[sflag:s10] =	ssyncadd.s32 $0xFFFFC000  }
0x17c: {  	s11 =	stileid.u32;
	[bflag:$0x0] =	sbarrier.arrive $0xFFFF  }
0x17d: {  	s11 =	sshll.u32 s11, $0x6;
	s17 =	rddreg [dreg:$0x6]  }
0x17e: {  	s14 =	rddreg [dreg:$0xc];
	s11 =	sor.u32 $0x1C05, s11;
	s13 =	sshrl.u32 s17, $0x3  }
0x17f: {  	[hbm:s14], [sflag:s11] =	dma.local [spmem:s13], $0x1400  }
0x180: {  	_ =	swait.ge [sflag:s22], $0x1400  }
0x181: {  	[sflag:s22] =	ssyncset.done $0x0;
	s18 =	rddreg [dreg:$0x9]  }
0x182: {  	s20 =	rddreg [dreg:$0xd];
	[sflag:s22] =	ssyncadd.s32 $0xFFFFEC00;
	s19 =	sshrl.u32 s18, $0x3  }
0x183: {  	[hbm:s20], [sflag:s11] =	dma.local [spmem:s19], $0x280  }
0x184: {  	_ =	swait.ge [sflag:s22], $0x280  }
0x185: {  	s12 =	sadd.s32 $0x1, s12;
	s23 =	rddreg [dreg:$0xe]  }
0x186: {  	p1 =	sne.s32 s12, s23  }
.Ltmp3:
0x187: {  	_ = 	snop;
	(pc) =	sbr.rel @p1 .LBB2_1-.Ltmp3, $3  }
0x188: {  	_ =	sdelay $0x1  }
0x189: {  	[sflag:s22] =	ssyncset.done $0x0  }
0x18a: {  	[sflag:s22] =	ssyncadd.s32 $0xFFFFFD80  }
0x18b: {  	_ =	sfence.sel $0x180000  }
0x18c: {  	[bflag:$0x0] =	sbarrier.arrive $0xFFFF  }
0x18d: {  	_ =	strace $0x90000047  }
0x18e: {  	[bflag:$0x2] =	sbarrier.arrive $0xFFFF  }
0x18f: {  	s0 =	rddreg [dreg:$0x4]  }
0x190: {  	s0 =	sadd.s32 @!p0 $0x100000, s0  }
0x191: {  	[sflag:s0] =	ssyncadd.tile.s32 @!p0 $0x1;
	_ =	shalt  }
.Lfunc_end2:
_tile_overlayer_lowered:
.L_overlay_start_2:
0x192: {  	(tag) =	ssettag $0x2  }
0x193: {  	s0 =	rddreg [dreg:$0x0];
	s2 =	stileid.u32  }
0x194: {  	s1 =	rddreg [dreg:$0x1];
	p0 =	sne.s32 s2, $0x0  }
0x195: {  	s3 =	rddreg [dreg:$0x2];
	[bflag:$0x3] =	sbarrier.arrive $0xFFFF;
	s2 =	simm.s32 @!p0 $0x1C05  }
0x196: {  	[timem:s3], [sflag:s2] =	dma.local @!p0 [hbm:s0], s1  }
0x197: {  	s0 =	simm.s32 @!p0 $0x5  }
0x198: {  	_ =	swait.ge @!p0 [sflag:s0], s1  }
0x199: {  	s1 =	ssub.s32 @!p0 $0x0, s1;
	[sflag:s0] =	ssyncset.done @!p0 $0x0  }
0x19a: {  	[sflag:s0] =	ssyncadd.s32 @!p0 s1  }
0x19b: {  	[bflag:$0x3] =	sbarrier.arrive $0xFFFF  }
0x19c: {  	_ =	shalt  }

</sc_bundles>
